<compile_context>
chip_gen: v7x
topology: tpu7x:2x2x1
jax: 0.10.2.dev20260603
libtpu: 0.0.44.dev20260713+nightly
codegen_flags: <defaults>
</compile_context>

<pallas_src>
import functools

import jax
import jax.numpy as jnp
from jax import lax
from jax.experimental import pallas as pl
from jax.experimental.pallas import tpu as pltpu
from jax.experimental.pallas import tpu_sc as plsc

VOCAB = 100000
DIM = 128
B = 4096
L = 200

_info = plsc.get_sparse_core_info()
NC, NS = _info.num_cores, _info.num_subcores
NW = NC * NS

TOTAL = B * L
PER_W = TOTAL // NW
CHUNK = 128
N_CHUNKS = PER_W // CHUNK
NBUF = 5
LAG = 2
N_GROUPS = N_CHUNKS // NBUF


def _make_gather():
    mesh = plsc.VectorSubcoreMesh(core_axis_name="c", subcore_axis_name="s")

    @functools.partial(
        pl.kernel,
        mesh=mesh,
        out_type=jax.ShapeDtypeStruct((TOTAL, DIM), jnp.float32),
        scratch_types=[
            pltpu.VMEM((N_CHUNKS, CHUNK), jnp.int32),
            pltpu.VMEM((NBUF, CHUNK, DIM), jnp.float32),
            pltpu.SemaphoreType.DMA((NBUF,)),
            pltpu.SemaphoreType.DMA((NBUF,)),
        ],
    )
    def gather_kernel(table_hbm, ids_hbm, out_hbm, idx_all, rows, sem_g, sem_s):
        wid = lax.axis_index("s") * NC + lax.axis_index("c")
        base = wid * PER_W

        pltpu.sync_copy(ids_hbm.at[wid], idx_all)

        def gather(k, b):
            pltpu.async_copy(table_hbm.at[idx_all.at[k]], rows.at[b], sem_g.at[b])

        def wait_gather(k, b):
            pltpu.make_async_copy(
                table_hbm.at[idx_all.at[k]], rows.at[b], sem_g.at[b]).wait()

        def store(k, b):
            pltpu.async_copy(
                rows.at[b], out_hbm.at[pl.ds(base + k * CHUNK, CHUNK)], sem_s.at[b])

        def wait_store(k, b):
            pltpu.make_async_copy(
                rows.at[b], out_hbm.at[pl.ds(base + k * CHUNK, CHUNK)],
                sem_s.at[b]).wait()

        for k in range(LAG):
            gather(k, k)
        for k in range(LAG, NBUF):
            gather(k, k)
            wait_gather(k - LAG, k - LAG)
            store(k - LAG, k - LAG)

        def body(j, _):
            k0 = j * NBUF
            for b in range(NBUF):
                k = k0 + b
                wait_store(k - NBUF, b)
                gather(k, b)
                kl = k - LAG
                bl = (b - LAG) % NBUF
                wait_gather(kl, bl)
                store(kl, bl)
            return 0

        lax.fori_loop(1, N_GROUPS, body, 0)

        for k in range(N_CHUNKS - LAG, N_CHUNKS):
            wait_gather(k, k % NBUF)
            store(k, k % NBUF)
        for k in range(N_CHUNKS - NBUF, N_CHUNKS):
            wait_store(k, k % NBUF)

    return gather_kernel


_gather = _make_gather()


def kernel(input_ids, table):
    ids = input_ids.reshape(NW, N_CHUNKS, CHUNK).astype(jnp.int32)
    out_flat = _gather(table, ids)
    return out_flat.reshape(B, L, DIM)

# --- scband reference (transcript-rebuilt; emitter-appended) ---
"""Pipeline reference for scband-embedding-5506148073529 (READ-ONLY COPY).

The authoritative reference and input builder live on the scoring server;
editing this copy changes nothing except your own understanding.
"""

import jax, jax.numpy as jnp
import numpy as np

VOCAB = 100000
DIM = 128
B = 4096
L = 200


def setup_inputs(seed: int = 0) -> dict:
    key = jax.random.key(seed)
    k1, k2 = jax.random.split(key)
    input_ids = jax.random.randint(k1, (B, L), 0, VOCAB, dtype=jnp.int64 if jax.config.jax_enable_x64 else jnp.int32)
    table = jax.random.normal(k2, (VOCAB, DIM), dtype=jnp.float32) * 0.02
    return {"input_ids": input_ids, "table": table}


def reference(input_ids, table):
    # Faithful translation of: out = model.embed_tokens(input_ids); return out.float()
    out = jnp.take(table, input_ids, axis=0)
    return out.astype(jnp.float32)

if __name__ == "__main__":
    import jax
    _d = setup_inputs()
    print(jax.jit(kernel)(*tuple(_d.values())))

</pallas_src>

<mosaic_0001>
#map = affine_map<(d0, d1) -> (0, 0)>
#map1 = affine_map<(d0, d1) -> (0, 0, 0)>
module attributes {stable_mosaic.version = 14 : i64} {
  func.func @gather_kernel(%arg0: i32, %arg1: i32, %arg2: memref<100000x128xf32, #tpu.memory_space<hbm>>, %arg3: memref<32x200x128xi32, #tpu.memory_space<hbm>>, %arg4: memref<819200x128xf32, #tpu.memory_space<hbm>>, %arg5: memref<200x128xi32, #tpu.memory_space<vmem>>, %arg6: memref<5x128x128xf32, #tpu.memory_space<vmem>>, %arg7: memref<5x!tpu.dma_semaphore, #tpu.memory_space<semaphore_mem>>, %arg8: memref<5x!tpu.dma_semaphore, #tpu.memory_space<semaphore_mem>>) attributes {dimension_semantics = [#tpu.dimension_semantics<core_parallel>, #tpu.dimension_semantics<subcore_parallel>], iteration_bounds = array<i64: 2, 16>, scalar_prefetch = 0 : i64, scratch_operands = 4 : i64, tpu.core_type = #tpu.core_type<sc_vector_subcore>, window_params = [{transform_indices = #map}, {transform_indices = #map1}, {transform_indices = #map}]} {
    %mul3A = arith.constant 2 : i32
    %mul3A_0 = arith.muli %arg1, %mul3A : i32
    %add3A = arith.addi %mul3A_0, %arg0 : i32
    %mul3A_1 = arith.constant 25600 : i32
    %mul3A_2 = arith.muli %add3A, %mul3A_1 : i32
    "tpu.region"() ({
      %run_scoped3A = tpu.sem_alloc : memref<!tpu.dma_semaphore, #tpu.memory_space<semaphore_mem>>
      %dma_start3A_337 = arith.constant 0 : i32
      %dma_start3A_338 = arith.constant 0 : i32
      %dma_start3A_339 = tpu.memref_slice %arg3[%add3A, %dma_start3A_337, %dma_start3A_338] : memref<32x200x128xi32, #tpu.memory_space<hbm>> -> memref<1x200x128xi32, #tpu.memory_space<hbm>>
      %dma_start3A_340 = tpu.memref_squeeze %dma_start3A_339 : memref<1x200x128xi32, #tpu.memory_space<hbm>> -> memref<200x128xi32, #tpu.memory_space<hbm>>
      %dma_start3A_341 = arith.constant 0 : i32
      %dma_start3A_342 = arith.constant 0 : i32
      %dma_start3A_343 = tpu.memref_slice %arg3[%add3A, %dma_start3A_341, %dma_start3A_342] : memref<32x200x128xi32, #tpu.memory_space<hbm>> -> memref<1x200x128xi32, #tpu.memory_space<hbm>>
      %dma_start3A_344 = tpu.memref_squeeze %dma_start3A_343 : memref<1x200x128xi32, #tpu.memory_space<hbm>> -> memref<200x128xi32, #tpu.memory_space<hbm>>
      tpu.enqueue_dma source(%dma_start3A_344 : memref<200x128xi32, #tpu.memory_space<hbm>>) target(%arg5 : memref<200x128xi32, #tpu.memory_space<vmem>>) target_semaphore(%run_scoped3A : memref<!tpu.dma_semaphore, #tpu.memory_space<semaphore_mem>>)
      %dma_wait3A_345 = arith.constant 0 : i32
      %dma_wait3A_346 = arith.constant 0 : i32
      %dma_wait3A_347 = tpu.memref_slice %arg3[%add3A, %dma_wait3A_345, %dma_wait3A_346] : memref<32x200x128xi32, #tpu.memory_space<hbm>> -> memref<1x200x128xi32, #tpu.memory_space<hbm>>
      %dma_wait3A_348 = tpu.memref_squeeze %dma_wait3A_347 : memref<1x200x128xi32, #tpu.memory_space<hbm>> -> memref<200x128xi32, #tpu.memory_space<hbm>>
      %dma_wait3A_349 = arith.constant 0 : i32
      %dma_wait3A_350 = arith.constant 0 : i32
      %dma_wait3A_351 = tpu.memref_slice %arg3[%add3A, %dma_wait3A_349, %dma_wait3A_350] : memref<32x200x128xi32, #tpu.memory_space<hbm>> -> memref<1x200x128xi32, #tpu.memory_space<hbm>>
      %dma_wait3A_352 = tpu.memref_squeeze %dma_wait3A_351 : memref<1x200x128xi32, #tpu.memory_space<hbm>> -> memref<200x128xi32, #tpu.memory_space<hbm>>
      tpu.wait_dma2 semaphore(%run_scoped3A : memref<!tpu.dma_semaphore, #tpu.memory_space<semaphore_mem>>) src(%dma_wait3A_352 : memref<200x128xi32, #tpu.memory_space<hbm>>) dst(%arg5 : memref<200x128xi32, #tpu.memory_space<vmem>>)
      tpu.yield
    }) : () -> ()
    %dma_start3A = arith.constant 0 : i32
    %dma_start3A_3 = arith.constant 0 : i32
    %dma_start3A_4 = arith.constant 0 : i32
    %dma_start3A_5 = arith.constant 0 : i32
    %dma_start3A_6 = arith.constant 0 : i32
    %dma_start3A_7 = tpu.memref_slice %arg6[%dma_start3A_3, %dma_start3A_5, %dma_start3A_6] : memref<5x128x128xf32, #tpu.memory_space<vmem>> -> memref<1x128x128xf32, #tpu.memory_space<vmem>>
    %dma_start3A_8 = tpu.memref_squeeze %dma_start3A_7 : memref<1x128x128xf32, #tpu.memory_space<vmem>> -> memref<128x128xf32, #tpu.memory_space<vmem>>
    %dma_start3A_9 = arith.constant 0 : i32
    %dma_start3A_10 = tpu.memref_slice %arg5[%dma_start3A, %dma_start3A_9] : memref<200x128xi32, #tpu.memory_space<vmem>> -> memref<1x128xi32, #tpu.memory_space<vmem>>
    %dma_start3A_11 = tpu.memref_squeeze %dma_start3A_10 : memref<1x128xi32, #tpu.memory_space<vmem>> -> memref<128xi32, #tpu.memory_space<vmem>>
    %dma_start3A_12 = arith.constant 0 : i32
    %dma_start3A_13 = arith.constant 0 : i32
    %dma_start3A_14 = tpu.memref_slice %arg2[%dma_start3A_12, %dma_start3A_13] : memref<100000x128xf32, #tpu.memory_space<hbm>> -> memref<100000x128xf32, #tpu.memory_space<hbm>>
    %dma_start3A_15 = tpu.memref_slice %arg7[%dma_start3A_4] : memref<5x!tpu.dma_semaphore, #tpu.memory_space<semaphore_mem>> -> memref<1x!tpu.dma_semaphore, #tpu.memory_space<semaphore_mem>>
    %dma_start3A_16 = tpu.memref_squeeze %dma_start3A_15 : memref<1x!tpu.dma_semaphore, #tpu.memory_space<semaphore_mem>> -> memref<!tpu.dma_semaphore, #tpu.memory_space<semaphore_mem>>
    tpu.enqueue_indirect_dma source(%dma_start3A_14 : memref<100000x128xf32, #tpu.memory_space<hbm>>) target(%dma_start3A_8 : memref<128x128xf32, #tpu.memory_space<vmem>>) offsets(%dma_start3A_11 : memref<128xi32, #tpu.memory_space<vmem>>) semaphore(%dma_start3A_16 : memref<!tpu.dma_semaphore, #tpu.memory_space<semaphore_mem>>)
    %dma_start3A_17 = arith.constant 1 : i32
    %dma_start3A_18 = arith.constant 1 : i32
    %dma_start3A_19 = arith.constant 1 : i32
    %dma_start3A_20 = arith.constant 0 : i32
    %dma_start3A_21 = arith.constant 0 : i32
    %dma_start3A_22 = tpu.memref_slice %arg6[%dma_start3A_18, %dma_start3A_20, %dma_start3A_21] : memref<5x128x128xf32, #tpu.memory_space<vmem>> -> memref<1x128x128xf32, #tpu.memory_space<vmem>>
    %dma_start3A_23 = tpu.memref_squeeze %dma_start3A_22 : memref<1x128x128xf32, #tpu.memory_space<vmem>> -> memref<128x128xf32, #tpu.memory_space<vmem>>
    %dma_start3A_24 = arith.constant 0 : i32
    %dma_start3A_25 = tpu.memref_slice %arg5[%dma_start3A_17, %dma_start3A_24] : memref<200x128xi32, #tpu.memory_space<vmem>> -> memref<1x128xi32, #tpu.memory_space<vmem>>
    %dma_start3A_26 = tpu.memref_squeeze %dma_start3A_25 : memref<1x128xi32, #tpu.memory_space<vmem>> -> memref<128xi32, #tpu.memory_space<vmem>>
    %dma_start3A_27 = arith.constant 0 : i32
    %dma_start3A_28 = arith.constant 0 : i32
    %dma_start3A_29 = tpu.memref_slice %arg2[%dma_start3A_27, %dma_start3A_28] : memref<100000x128xf32, #tpu.memory_space<hbm>> -> memref<100000x128xf32, #tpu.memory_space<hbm>>
    %dma_start3A_30 = tpu.memref_slice %arg7[%dma_start3A_19] : memref<5x!tpu.dma_semaphore, #tpu.memory_space<semaphore_mem>> -> memref<1x!tpu.dma_semaphore, #tpu.memory_space<semaphore_mem>>
    %dma_start3A_31 = tpu.memref_squeeze %dma_start3A_30 : memref<1x!tpu.dma_semaphore, #tpu.memory_space<semaphore_mem>> -> memref<!tpu.dma_semaphore, #tpu.memory_space<semaphore_mem>>
    tpu.enqueue_indirect_dma source(%dma_start3A_29 : memref<100000x128xf32, #tpu.memory_space<hbm>>) target(%dma_start3A_23 : memref<128x128xf32, #tpu.memory_space<vmem>>) offsets(%dma_start3A_26 : memref<128xi32, #tpu.memory_space<vmem>>) semaphore(%dma_start3A_31 : memref<!tpu.dma_semaphore, #tpu.memory_space<semaphore_mem>>)
    %dma_start3A_32 = arith.constant 2 : i32
    %dma_start3A_33 = arith.constant 2 : i32
    %dma_start3A_34 = arith.constant 2 : i32
    %dma_start3A_35 = arith.constant 0 : i32
    %dma_start3A_36 = arith.constant 0 : i32
    %dma_start3A_37 = tpu.memref_slice %arg6[%dma_start3A_33, %dma_start3A_35, %dma_start3A_36] : memref<5x128x128xf32, #tpu.memory_space<vmem>> -> memref<1x128x128xf32, #tpu.memory_space<vmem>>
    %dma_start3A_38 = tpu.memref_squeeze %dma_start3A_37 : memref<1x128x128xf32, #tpu.memory_space<vmem>> -> memref<128x128xf32, #tpu.memory_space<vmem>>
    %dma_start3A_39 = arith.constant 0 : i32
    %dma_start3A_40 = tpu.memref_slice %arg5[%dma_start3A_32, %dma_start3A_39] : memref<200x128xi32, #tpu.memory_space<vmem>> -> memref<1x128xi32, #tpu.memory_space<vmem>>
    %dma_start3A_41 = tpu.memref_squeeze %dma_start3A_40 : memref<1x128xi32, #tpu.memory_space<vmem>> -> memref<128xi32, #tpu.memory_space<vmem>>
    %dma_start3A_42 = arith.constant 0 : i32
    %dma_start3A_43 = arith.constant 0 : i32
    %dma_start3A_44 = tpu.memref_slice %arg2[%dma_start3A_42, %dma_start3A_43] : memref<100000x128xf32, #tpu.memory_space<hbm>> -> memref<100000x128xf32, #tpu.memory_space<hbm>>
    %dma_start3A_45 = tpu.memref_slice %arg7[%dma_start3A_34] : memref<5x!tpu.dma_semaphore, #tpu.memory_space<semaphore_mem>> -> memref<1x!tpu.dma_semaphore, #tpu.memory_space<semaphore_mem>>
    %dma_start3A_46 = tpu.memref_squeeze %dma_start3A_45 : memref<1x!tpu.dma_semaphore, #tpu.memory_space<semaphore_mem>> -> memref<!tpu.dma_semaphore, #tpu.memory_space<semaphore_mem>>
    tpu.enqueue_indirect_dma source(%dma_start3A_44 : memref<100000x128xf32, #tpu.memory_space<hbm>>) target(%dma_start3A_38 : memref<128x128xf32, #tpu.memory_space<vmem>>) offsets(%dma_start3A_41 : memref<128xi32, #tpu.memory_space<vmem>>) semaphore(%dma_start3A_46 : memref<!tpu.dma_semaphore, #tpu.memory_space<semaphore_mem>>)
    %dma_wait3A = arith.constant 0 : i32
    %dma_wait3A_47 = arith.constant 0 : i32
    %dma_wait3A_48 = arith.constant 0 : i32
    %dma_wait3A_49 = arith.constant 0 : i32
    %dma_wait3A_50 = arith.constant 0 : i32
    %dma_wait3A_51 = tpu.memref_slice %arg6[%dma_wait3A_47, %dma_wait3A_49, %dma_wait3A_50] : memref<5x128x128xf32, #tpu.memory_space<vmem>> -> memref<1x128x128xf32, #tpu.memory_space<vmem>>
    %dma_wait3A_52 = tpu.memref_squeeze %dma_wait3A_51 : memref<1x128x128xf32, #tpu.memory_space<vmem>> -> memref<128x128xf32, #tpu.memory_space<vmem>>
    %dma_wait3A_53 = arith.constant 0 : i32
    %dma_wait3A_54 = tpu.memref_slice %arg5[%dma_wait3A, %dma_wait3A_53] : memref<200x128xi32, #tpu.memory_space<vmem>> -> memref<1x128xi32, #tpu.memory_space<vmem>>
    %dma_wait3A_55 = tpu.memref_squeeze %dma_wait3A_54 : memref<1x128xi32, #tpu.memory_space<vmem>> -> memref<128xi32, #tpu.memory_space<vmem>>
    %dma_wait3A_56 = arith.constant 0 : i32
    %dma_wait3A_57 = arith.constant 0 : i32
    %dma_wait3A_58 = tpu.memref_slice %arg2[%dma_wait3A_56, %dma_wait3A_57] : memref<100000x128xf32, #tpu.memory_space<hbm>> -> memref<100000x128xf32, #tpu.memory_space<hbm>>
    %dma_wait3A_59 = tpu.memref_slice %arg7[%dma_wait3A_48] : memref<5x!tpu.dma_semaphore, #tpu.memory_space<semaphore_mem>> -> memref<1x!tpu.dma_semaphore, #tpu.memory_space<semaphore_mem>>
    %dma_wait3A_60 = tpu.memref_squeeze %dma_wait3A_59 : memref<1x!tpu.dma_semaphore, #tpu.memory_space<semaphore_mem>> -> memref<!tpu.dma_semaphore, #tpu.memory_space<semaphore_mem>>
    tpu.wait_indirect_dma semaphore(%dma_wait3A_60 : memref<!tpu.dma_semaphore, #tpu.memory_space<semaphore_mem>>) src(%dma_wait3A_58 : memref<100000x128xf32, #tpu.memory_space<hbm>>) dst(%dma_wait3A_52 : memref<128x128xf32, #tpu.memory_space<vmem>>)
    %add3A_61 = arith.constant 0 : i32
    %add3A_62 = arith.addi %mul3A_2, %add3A_61 : i32
    %dma_start3A_63 = arith.constant 0 : i32
    %dma_start3A_64 = arith.constant 0 : i32
    %dma_start3A_65 = arith.constant 0 : i32
    %dma_start3A_66 = arith.constant 0 : i32
    %dma_start3A_67 = tpu.memref_slice %arg6[%dma_start3A_63, %dma_start3A_65, %dma_start3A_66] : memref<5x128x128xf32, #tpu.memory_space<vmem>> -> memref<1x128x128xf32, #tpu.memory_space<vmem>>
    %dma_start3A_68 = tpu.memref_squeeze %dma_start3A_67 : memref<1x128x128xf32, #tpu.memory_space<vmem>> -> memref<128x128xf32, #tpu.memory_space<vmem>>
    %dma_start3A_69 = arith.constant 0 : i32
    %dma_start3A_70 = tpu.memref_slice %arg4[%add3A_62, %dma_start3A_69] : memref<819200x128xf32, #tpu.memory_space<hbm>> -> memref<128x128xf32, #tpu.memory_space<hbm>>
    %dma_start3A_71 = tpu.memref_slice %arg8[%dma_start3A_64] : memref<5x!tpu.dma_semaphore, #tpu.memory_space<semaphore_mem>> -> memref<1x!tpu.dma_semaphore, #tpu.memory_space<semaphore_mem>>
    %dma_start3A_72 = tpu.memref_squeeze %dma_start3A_71 : memref<1x!tpu.dma_semaphore, #tpu.memory_space<semaphore_mem>> -> memref<!tpu.dma_semaphore, #tpu.memory_space<semaphore_mem>>
    %dma_start3A_73 = arith.constant 0 : i32
    %dma_start3A_74 = tpu.memref_slice %arg4[%add3A_62, %dma_start3A_73] : memref<819200x128xf32, #tpu.memory_space<hbm>> -> memref<128x128xf32, #tpu.memory_space<hbm>>
    %dma_start3A_75 = arith.constant 0 : i32
    %dma_start3A_76 = arith.constant 0 : i32
    %dma_start3A_77 = tpu.memref_slice %arg6[%dma_start3A_63, %dma_start3A_75, %dma_start3A_76] : memref<5x128x128xf32, #tpu.memory_space<vmem>> -> memref<1x128x128xf32, #tpu.memory_space<vmem>>
    %dma_start3A_78 = tpu.memref_squeeze %dma_start3A_77 : memref<1x128x128xf32, #tpu.memory_space<vmem>> -> memref<128x128xf32, #tpu.memory_space<vmem>>
    tpu.enqueue_dma source(%dma_start3A_78 : memref<128x128xf32, #tpu.memory_space<vmem>>) target(%dma_start3A_74 : memref<128x128xf32, #tpu.memory_space<hbm>>) target_semaphore(%dma_start3A_72 : memref<!tpu.dma_semaphore, #tpu.memory_space<semaphore_mem>>)
    %dma_start3A_79 = arith.constant 3 : i32
    %dma_start3A_80 = arith.constant 3 : i32
    %dma_start3A_81 = arith.constant 3 : i32
    %dma_start3A_82 = arith.constant 0 : i32
    %dma_start3A_83 = arith.constant 0 : i32
    %dma_start3A_84 = tpu.memref_slice %arg6[%dma_start3A_80, %dma_start3A_82, %dma_start3A_83] : memref<5x128x128xf32, #tpu.memory_space<vmem>> -> memref<1x128x128xf32, #tpu.memory_space<vmem>>
    %dma_start3A_85 = tpu.memref_squeeze %dma_start3A_84 : memref<1x128x128xf32, #tpu.memory_space<vmem>> -> memref<128x128xf32, #tpu.memory_space<vmem>>
    %dma_start3A_86 = arith.constant 0 : i32
    %dma_start3A_87 = tpu.memref_slice %arg5[%dma_start3A_79, %dma_start3A_86] : memref<200x128xi32, #tpu.memory_space<vmem>> -> memref<1x128xi32, #tpu.memory_space<vmem>>
    %dma_start3A_88 = tpu.memref_squeeze %dma_start3A_87 : memref<1x128xi32, #tpu.memory_space<vmem>> -> memref<128xi32, #tpu.memory_space<vmem>>
    %dma_start3A_89 = arith.constant 0 : i32
    %dma_start3A_90 = arith.constant 0 : i32
    %dma_start3A_91 = tpu.memref_slice %arg2[%dma_start3A_89, %dma_start3A_90] : memref<100000x128xf32, #tpu.memory_space<hbm>> -> memref<100000x128xf32, #tpu.memory_space<hbm>>
    %dma_start3A_92 = tpu.memref_slice %arg7[%dma_start3A_81] : memref<5x!tpu.dma_semaphore, #tpu.memory_space<semaphore_mem>> -> memref<1x!tpu.dma_semaphore, #tpu.memory_space<semaphore_mem>>
    %dma_start3A_93 = tpu.memref_squeeze %dma_start3A_92 : memref<1x!tpu.dma_semaphore, #tpu.memory_space<semaphore_mem>> -> memref<!tpu.dma_semaphore, #tpu.memory_space<semaphore_mem>>
    tpu.enqueue_indirect_dma source(%dma_start3A_91 : memref<100000x128xf32, #tpu.memory_space<hbm>>) target(%dma_start3A_85 : memref<128x128xf32, #tpu.memory_space<vmem>>) offsets(%dma_start3A_88 : memref<128xi32, #tpu.memory_space<vmem>>) semaphore(%dma_start3A_93 : memref<!tpu.dma_semaphore, #tpu.memory_space<semaphore_mem>>)
    %dma_wait3A_94 = arith.constant 1 : i32
    %dma_wait3A_95 = arith.constant 1 : i32
    %dma_wait3A_96 = arith.constant 1 : i32
    %dma_wait3A_97 = arith.constant 0 : i32
    %dma_wait3A_98 = arith.constant 0 : i32
    %dma_wait3A_99 = tpu.memref_slice %arg6[%dma_wait3A_95, %dma_wait3A_97, %dma_wait3A_98] : memref<5x128x128xf32, #tpu.memory_space<vmem>> -> memref<1x128x128xf32, #tpu.memory_space<vmem>>
    %dma_wait3A_100 = tpu.memref_squeeze %dma_wait3A_99 : memref<1x128x128xf32, #tpu.memory_space<vmem>> -> memref<128x128xf32, #tpu.memory_space<vmem>>
    %dma_wait3A_101 = arith.constant 0 : i32
    %dma_wait3A_102 = tpu.memref_slice %arg5[%dma_wait3A_94, %dma_wait3A_101] : memref<200x128xi32, #tpu.memory_space<vmem>> -> memref<1x128xi32, #tpu.memory_space<vmem>>
    %dma_wait3A_103 = tpu.memref_squeeze %dma_wait3A_102 : memref<1x128xi32, #tpu.memory_space<vmem>> -> memref<128xi32, #tpu.memory_space<vmem>>
    %dma_wait3A_104 = arith.constant 0 : i32
    %dma_wait3A_105 = arith.constant 0 : i32
    %dma_wait3A_106 = tpu.memref_slice %arg2[%dma_wait3A_104, %dma_wait3A_105] : memref<100000x128xf32, #tpu.memory_space<hbm>> -> memref<100000x128xf32, #tpu.memory_space<hbm>>
    %dma_wait3A_107 = tpu.memref_slice %arg7[%dma_wait3A_96] : memref<5x!tpu.dma_semaphore, #tpu.memory_space<semaphore_mem>> -> memref<1x!tpu.dma_semaphore, #tpu.memory_space<semaphore_mem>>
    %dma_wait3A_108 = tpu.memref_squeeze %dma_wait3A_107 : memref<1x!tpu.dma_semaphore, #tpu.memory_space<semaphore_mem>> -> memref<!tpu.dma_semaphore, #tpu.memory_space<semaphore_mem>>
    tpu.wait_indirect_dma semaphore(%dma_wait3A_108 : memref<!tpu.dma_semaphore, #tpu.memory_space<semaphore_mem>>) src(%dma_wait3A_106 : memref<100000x128xf32, #tpu.memory_space<hbm>>) dst(%dma_wait3A_100 : memref<128x128xf32, #tpu.memory_space<vmem>>)
    %add3A_109 = arith.constant 128 : i32
    %add3A_110 = arith.addi %mul3A_2, %add3A_109 : i32
    %dma_start3A_111 = arith.constant 1 : i32
    %dma_start3A_112 = arith.constant 1 : i32
    %dma_start3A_113 = arith.constant 0 : i32
    %dma_start3A_114 = arith.constant 0 : i32
    %dma_start3A_115 = tpu.memref_slice %arg6[%dma_start3A_111, %dma_start3A_113, %dma_start3A_114] : memref<5x128x128xf32, #tpu.memory_space<vmem>> -> memref<1x128x128xf32, #tpu.memory_space<vmem>>
    %dma_start3A_116 = tpu.memref_squeeze %dma_start3A_115 : memref<1x128x128xf32, #tpu.memory_space<vmem>> -> memref<128x128xf32, #tpu.memory_space<vmem>>
    %dma_start3A_117 = arith.constant 0 : i32
    %dma_start3A_118 = tpu.memref_slice %arg4[%add3A_110, %dma_start3A_117] : memref<819200x128xf32, #tpu.memory_space<hbm>> -> memref<128x128xf32, #tpu.memory_space<hbm>>
    %dma_start3A_119 = tpu.memref_slice %arg8[%dma_start3A_112] : memref<5x!tpu.dma_semaphore, #tpu.memory_space<semaphore_mem>> -> memref<1x!tpu.dma_semaphore, #tpu.memory_space<semaphore_mem>>
    %dma_start3A_120 = tpu.memref_squeeze %dma_start3A_119 : memref<1x!tpu.dma_semaphore, #tpu.memory_space<semaphore_mem>> -> memref<!tpu.dma_semaphore, #tpu.memory_space<semaphore_mem>>
    %dma_start3A_121 = arith.constant 0 : i32
    %dma_start3A_122 = tpu.memref_slice %arg4[%add3A_110, %dma_start3A_121] : memref<819200x128xf32, #tpu.memory_space<hbm>> -> memref<128x128xf32, #tpu.memory_space<hbm>>
    %dma_start3A_123 = arith.constant 0 : i32
    %dma_start3A_124 = arith.constant 0 : i32
    %dma_start3A_125 = tpu.memref_slice %arg6[%dma_start3A_111, %dma_start3A_123, %dma_start3A_124] : memref<5x128x128xf32, #tpu.memory_space<vmem>> -> memref<1x128x128xf32, #tpu.memory_space<vmem>>
    %dma_start3A_126 = tpu.memref_squeeze %dma_start3A_125 : memref<1x128x128xf32, #tpu.memory_space<vmem>> -> memref<128x128xf32, #tpu.memory_space<vmem>>
    tpu.enqueue_dma source(%dma_start3A_126 : memref<128x128xf32, #tpu.memory_space<vmem>>) target(%dma_start3A_122 : memref<128x128xf32, #tpu.memory_space<hbm>>) target_semaphore(%dma_start3A_120 : memref<!tpu.dma_semaphore, #tpu.memory_space<semaphore_mem>>)
    %dma_start3A_127 = arith.constant 4 : i32
    %dma_start3A_128 = arith.constant 4 : i32
    %dma_start3A_129 = arith.constant 4 : i32
    %dma_start3A_130 = arith.constant 0 : i32
    %dma_start3A_131 = arith.constant 0 : i32
    %dma_start3A_132 = tpu.memref_slice %arg6[%dma_start3A_128, %dma_start3A_130, %dma_start3A_131] : memref<5x128x128xf32, #tpu.memory_space<vmem>> -> memref<1x128x128xf32, #tpu.memory_space<vmem>>
    %dma_start3A_133 = tpu.memref_squeeze %dma_start3A_132 : memref<1x128x128xf32, #tpu.memory_space<vmem>> -> memref<128x128xf32, #tpu.memory_space<vmem>>
    %dma_start3A_134 = arith.constant 0 : i32
    %dma_start3A_135 = tpu.memref_slice %arg5[%dma_start3A_127, %dma_start3A_134] : memref<200x128xi32, #tpu.memory_space<vmem>> -> memref<1x128xi32, #tpu.memory_space<vmem>>
    %dma_start3A_136 = tpu.memref_squeeze %dma_start3A_135 : memref<1x128xi32, #tpu.memory_space<vmem>> -> memref<128xi32, #tpu.memory_space<vmem>>
    %dma_start3A_137 = arith.constant 0 : i32
    %dma_start3A_138 = arith.constant 0 : i32
    %dma_start3A_139 = tpu.memref_slice %arg2[%dma_start3A_137, %dma_start3A_138] : memref<100000x128xf32, #tpu.memory_space<hbm>> -> memref<100000x128xf32, #tpu.memory_space<hbm>>
    %dma_start3A_140 = tpu.memref_slice %arg7[%dma_start3A_129] : memref<5x!tpu.dma_semaphore, #tpu.memory_space<semaphore_mem>> -> memref<1x!tpu.dma_semaphore, #tpu.memory_space<semaphore_mem>>
    %dma_start3A_141 = tpu.memref_squeeze %dma_start3A_140 : memref<1x!tpu.dma_semaphore, #tpu.memory_space<semaphore_mem>> -> memref<!tpu.dma_semaphore, #tpu.memory_space<semaphore_mem>>
    tpu.enqueue_indirect_dma source(%dma_start3A_139 : memref<100000x128xf32, #tpu.memory_space<hbm>>) target(%dma_start3A_133 : memref<128x128xf32, #tpu.memory_space<vmem>>) offsets(%dma_start3A_136 : memref<128xi32, #tpu.memory_space<vmem>>) semaphore(%dma_start3A_141 : memref<!tpu.dma_semaphore, #tpu.memory_space<semaphore_mem>>)
    %dma_wait3A_142 = arith.constant 2 : i32
    %dma_wait3A_143 = arith.constant 2 : i32
    %dma_wait3A_144 = arith.constant 2 : i32
    %dma_wait3A_145 = arith.constant 0 : i32
    %dma_wait3A_146 = arith.constant 0 : i32
    %dma_wait3A_147 = tpu.memref_slice %arg6[%dma_wait3A_143, %dma_wait3A_145, %dma_wait3A_146] : memref<5x128x128xf32, #tpu.memory_space<vmem>> -> memref<1x128x128xf32, #tpu.memory_space<vmem>>
    %dma_wait3A_148 = tpu.memref_squeeze %dma_wait3A_147 : memref<1x128x128xf32, #tpu.memory_space<vmem>> -> memref<128x128xf32, #tpu.memory_space<vmem>>
    %dma_wait3A_149 = arith.constant 0 : i32
    %dma_wait3A_150 = tpu.memref_slice %arg5[%dma_wait3A_142, %dma_wait3A_149] : memref<200x128xi32, #tpu.memory_space<vmem>> -> memref<1x128xi32, #tpu.memory_space<vmem>>
    %dma_wait3A_151 = tpu.memref_squeeze %dma_wait3A_150 : memref<1x128xi32, #tpu.memory_space<vmem>> -> memref<128xi32, #tpu.memory_space<vmem>>
    %dma_wait3A_152 = arith.constant 0 : i32
    %dma_wait3A_153 = arith.constant 0 : i32
    %dma_wait3A_154 = tpu.memref_slice %arg2[%dma_wait3A_152, %dma_wait3A_153] : memref<100000x128xf32, #tpu.memory_space<hbm>> -> memref<100000x128xf32, #tpu.memory_space<hbm>>
    %dma_wait3A_155 = tpu.memref_slice %arg7[%dma_wait3A_144] : memref<5x!tpu.dma_semaphore, #tpu.memory_space<semaphore_mem>> -> memref<1x!tpu.dma_semaphore, #tpu.memory_space<semaphore_mem>>
    %dma_wait3A_156 = tpu.memref_squeeze %dma_wait3A_155 : memref<1x!tpu.dma_semaphore, #tpu.memory_space<semaphore_mem>> -> memref<!tpu.dma_semaphore, #tpu.memory_space<semaphore_mem>>
    tpu.wait_indirect_dma semaphore(%dma_wait3A_156 : memref<!tpu.dma_semaphore, #tpu.memory_space<semaphore_mem>>) src(%dma_wait3A_154 : memref<100000x128xf32, #tpu.memory_space<hbm>>) dst(%dma_wait3A_148 : memref<128x128xf32, #tpu.memory_space<vmem>>)
    %add3A_157 = arith.constant 256 : i32
    %add3A_158 = arith.addi %mul3A_2, %add3A_157 : i32
    %dma_start3A_159 = arith.constant 2 : i32
    %dma_start3A_160 = arith.constant 2 : i32
    %dma_start3A_161 = arith.constant 0 : i32
    %dma_start3A_162 = arith.constant 0 : i32
    %dma_start3A_163 = tpu.memref_slice %arg6[%dma_start3A_159, %dma_start3A_161, %dma_start3A_162] : memref<5x128x128xf32, #tpu.memory_space<vmem>> -> memref<1x128x128xf32, #tpu.memory_space<vmem>>
    %dma_start3A_164 = tpu.memref_squeeze %dma_start3A_163 : memref<1x128x128xf32, #tpu.memory_space<vmem>> -> memref<128x128xf32, #tpu.memory_space<vmem>>
    %dma_start3A_165 = arith.constant 0 : i32
    %dma_start3A_166 = tpu.memref_slice %arg4[%add3A_158, %dma_start3A_165] : memref<819200x128xf32, #tpu.memory_space<hbm>> -> memref<128x128xf32, #tpu.memory_space<hbm>>
    %dma_start3A_167 = tpu.memref_slice %arg8[%dma_start3A_160] : memref<5x!tpu.dma_semaphore, #tpu.memory_space<semaphore_mem>> -> memref<1x!tpu.dma_semaphore, #tpu.memory_space<semaphore_mem>>
    %dma_start3A_168 = tpu.memref_squeeze %dma_start3A_167 : memref<1x!tpu.dma_semaphore, #tpu.memory_space<semaphore_mem>> -> memref<!tpu.dma_semaphore, #tpu.memory_space<semaphore_mem>>
    %dma_start3A_169 = arith.constant 0 : i32
    %dma_start3A_170 = tpu.memref_slice %arg4[%add3A_158, %dma_start3A_169] : memref<819200x128xf32, #tpu.memory_space<hbm>> -> memref<128x128xf32, #tpu.memory_space<hbm>>
    %dma_start3A_171 = arith.constant 0 : i32
    %dma_start3A_172 = arith.constant 0 : i32
    %dma_start3A_173 = tpu.memref_slice %arg6[%dma_start3A_159, %dma_start3A_171, %dma_start3A_172] : memref<5x128x128xf32, #tpu.memory_space<vmem>> -> memref<1x128x128xf32, #tpu.memory_space<vmem>>
    %dma_start3A_174 = tpu.memref_squeeze %dma_start3A_173 : memref<1x128x128xf32, #tpu.memory_space<vmem>> -> memref<128x128xf32, #tpu.memory_space<vmem>>
    tpu.enqueue_dma source(%dma_start3A_174 : memref<128x128xf32, #tpu.memory_space<vmem>>) target(%dma_start3A_170 : memref<128x128xf32, #tpu.memory_space<hbm>>) target_semaphore(%dma_start3A_168 : memref<!tpu.dma_semaphore, #tpu.memory_space<semaphore_mem>>)
    %scan3A = arith.constant 0 : i32
    %scan3A_175 = arith.constant 1 : i32
    %scan3A_176 = arith.constant 39 : i32
    %scan3A_177 = arith.addi %scan3A_175, %scan3A_176 : i32
    %scan3A_178 = arith.constant 1 : i32
    %scan3A_179 = scf.for %scan3A_337 = %scan3A_175 to %scan3A_177 step %scan3A_178 iter_args(%scan3A_338 = %scan3A) -> (i32)  : i32 {
      %mul3A_339 = arith.constant 5 : i32
      %mul3A_340 = arith.muli %scan3A_337, %mul3A_339 : i32
      %add3A_341 = arith.constant 0 : i32
      %add3A_342 = arith.addi %mul3A_340, %add3A_341 : i32
      %sub3A = arith.constant 5 : i32
      %sub3A_343 = arith.subi %add3A_342, %sub3A : i32
      %mul3A_344 = arith.constant 128 : i32
      %mul3A_345 = arith.muli %sub3A_343, %mul3A_344 : i32
      %add3A_346 = arith.addi %mul3A_2, %mul3A_345 : i32
      %dma_wait3A_347 = arith.constant 0 : i32
      %dma_wait3A_348 = arith.constant 0 : i32
      %dma_wait3A_349 = arith.constant 0 : i32
      %dma_wait3A_350 = arith.constant 0 : i32
      %dma_wait3A_351 = tpu.memref_slice %arg6[%dma_wait3A_347, %dma_wait3A_349, %dma_wait3A_350] : memref<5x128x128xf32, #tpu.memory_space<vmem>> -> memref<1x128x128xf32, #tpu.memory_space<vmem>>
      %dma_wait3A_352 = tpu.memref_squeeze %dma_wait3A_351 : memref<1x128x128xf32, #tpu.memory_space<vmem>> -> memref<128x128xf32, #tpu.memory_space<vmem>>
      %dma_wait3A_353 = arith.constant 0 : i32
      %dma_wait3A_354 = tpu.memref_slice %arg4[%add3A_346, %dma_wait3A_353] : memref<819200x128xf32, #tpu.memory_space<hbm>> -> memref<128x128xf32, #tpu.memory_space<hbm>>
      %dma_wait3A_355 = tpu.memref_slice %arg8[%dma_wait3A_348] : memref<5x!tpu.dma_semaphore, #tpu.memory_space<semaphore_mem>> -> memref<1x!tpu.dma_semaphore, #tpu.memory_space<semaphore_mem>>
      %dma_wait3A_356 = tpu.memref_squeeze %dma_wait3A_355 : memref<1x!tpu.dma_semaphore, #tpu.memory_space<semaphore_mem>> -> memref<!tpu.dma_semaphore, #tpu.memory_space<semaphore_mem>>
      %dma_wait3A_357 = arith.constant 0 : i32
      %dma_wait3A_358 = tpu.memref_slice %arg4[%add3A_346, %dma_wait3A_357] : memref<819200x128xf32, #tpu.memory_space<hbm>> -> memref<128x128xf32, #tpu.memory_space<hbm>>
      %dma_wait3A_359 = arith.constant 0 : i32
      %dma_wait3A_360 = arith.constant 0 : i32
      %dma_wait3A_361 = tpu.memref_slice %arg6[%dma_wait3A_347, %dma_wait3A_359, %dma_wait3A_360] : memref<5x128x128xf32, #tpu.memory_space<vmem>> -> memref<1x128x128xf32, #tpu.memory_space<vmem>>
      %dma_wait3A_362 = tpu.memref_squeeze %dma_wait3A_361 : memref<1x128x128xf32, #tpu.memory_space<vmem>> -> memref<128x128xf32, #tpu.memory_space<vmem>>
      tpu.wait_dma2 semaphore(%dma_wait3A_356 : memref<!tpu.dma_semaphore, #tpu.memory_space<semaphore_mem>>) src(%dma_wait3A_362 : memref<128x128xf32, #tpu.memory_space<vmem>>) dst(%dma_wait3A_358 : memref<128x128xf32, #tpu.memory_space<hbm>>)
      %dma_start3A_363 = arith.constant 0 : i32
      %dma_start3A_364 = arith.constant 0 : i32
      %dma_start3A_365 = arith.constant 0 : i32
      %dma_start3A_366 = arith.constant 0 : i32
      %dma_start3A_367 = tpu.memref_slice %arg6[%dma_start3A_363, %dma_start3A_365, %dma_start3A_366] : memref<5x128x128xf32, #tpu.memory_space<vmem>> -> memref<1x128x128xf32, #tpu.memory_space<vmem>>
      %dma_start3A_368 = tpu.memref_squeeze %dma_start3A_367 : memref<1x128x128xf32, #tpu.memory_space<vmem>> -> memref<128x128xf32, #tpu.memory_space<vmem>>
      %dma_start3A_369 = arith.constant 0 : i32
      %dma_start3A_370 = tpu.memref_slice %arg5[%add3A_342, %dma_start3A_369] : memref<200x128xi32, #tpu.memory_space<vmem>> -> memref<1x128xi32, #tpu.memory_space<vmem>>
      %dma_start3A_371 = tpu.memref_squeeze %dma_start3A_370 : memref<1x128xi32, #tpu.memory_space<vmem>> -> memref<128xi32, #tpu.memory_space<vmem>>
      %dma_start3A_372 = arith.constant 0 : i32
      %dma_start3A_373 = arith.constant 0 : i32
      %dma_start3A_374 = tpu.memref_slice %arg2[%dma_start3A_372, %dma_start3A_373] : memref<100000x128xf32, #tpu.memory_space<hbm>> -> memref<100000x128xf32, #tpu.memory_space<hbm>>
      %dma_start3A_375 = tpu.memref_slice %arg7[%dma_start3A_364] : memref<5x!tpu.dma_semaphore, #tpu.memory_space<semaphore_mem>> -> memref<1x!tpu.dma_semaphore, #tpu.memory_space<semaphore_mem>>
      %dma_start3A_376 = tpu.memref_squeeze %dma_start3A_375 : memref<1x!tpu.dma_semaphore, #tpu.memory_space<semaphore_mem>> -> memref<!tpu.dma_semaphore, #tpu.memory_space<semaphore_mem>>
      tpu.enqueue_indirect_dma source(%dma_start3A_374 : memref<100000x128xf32, #tpu.memory_space<hbm>>) target(%dma_start3A_368 : memref<128x128xf32, #tpu.memory_space<vmem>>) offsets(%dma_start3A_371 : memref<128xi32, #tpu.memory_space<vmem>>) semaphore(%dma_start3A_376 : memref<!tpu.dma_semaphore, #tpu.memory_space<semaphore_mem>>)
      %sub3A_377 = arith.constant 2 : i32
      %sub3A_378 = arith.subi %add3A_342, %sub3A_377 : i32
      %dma_wait3A_379 = arith.constant 3 : i32
      %dma_wait3A_380 = arith.constant 3 : i32
      %dma_wait3A_381 = arith.constant 0 : i32
      %dma_wait3A_382 = arith.constant 0 : i32
      %dma_wait3A_383 = tpu.memref_slice %arg6[%dma_wait3A_379, %dma_wait3A_381, %dma_wait3A_382] : memref<5x128x128xf32, #tpu.memory_space<vmem>> -> memref<1x128x128xf32, #tpu.memory_space<vmem>>
      %dma_wait3A_384 = tpu.memref_squeeze %dma_wait3A_383 : memref<1x128x128xf32, #tpu.memory_space<vmem>> -> memref<128x128xf32, #tpu.memory_space<vmem>>
      %dma_wait3A_385 = arith.constant 0 : i32
      %dma_wait3A_386 = tpu.memref_slice %arg5[%sub3A_378, %dma_wait3A_385] : memref<200x128xi32, #tpu.memory_space<vmem>> -> memref<1x128xi32, #tpu.memory_space<vmem>>
      %dma_wait3A_387 = tpu.memref_squeeze %dma_wait3A_386 : memref<1x128xi32, #tpu.memory_space<vmem>> -> memref<128xi32, #tpu.memory_space<vmem>>
      %dma_wait3A_388 = arith.constant 0 : i32
      %dma_wait3A_389 = arith.constant 0 : i32
      %dma_wait3A_390 = tpu.memref_slice %arg2[%dma_wait3A_388, %dma_wait3A_389] : memref<100000x128xf32, #tpu.memory_space<hbm>> -> memref<100000x128xf32, #tpu.memory_space<hbm>>
      %dma_wait3A_391 = tpu.memref_slice %arg7[%dma_wait3A_380] : memref<5x!tpu.dma_semaphore, #tpu.memory_space<semaphore_mem>> -> memref<1x!tpu.dma_semaphore, #tpu.memory_space<semaphore_mem>>
      %dma_wait3A_392 = tpu.memref_squeeze %dma_wait3A_391 : memref<1x!tpu.dma_semaphore, #tpu.memory_space<semaphore_mem>> -> memref<!tpu.dma_semaphore, #tpu.memory_space<semaphore_mem>>
      tpu.wait_indirect_dma semaphore(%dma_wait3A_392 : memref<!tpu.dma_semaphore, #tpu.memory_space<semaphore_mem>>) src(%dma_wait3A_390 : memref<100000x128xf32, #tpu.memory_space<hbm>>) dst(%dma_wait3A_384 : memref<128x128xf32, #tpu.memory_space<vmem>>)
      %mul3A_393 = arith.constant 128 : i32
      %mul3A_394 = arith.muli %sub3A_378, %mul3A_393 : i32
      %add3A_395 = arith.addi %mul3A_2, %mul3A_394 : i32
      %dma_start3A_396 = arith.constant 3 : i32
      %dma_start3A_397 = arith.constant 3 : i32
      %dma_start3A_398 = arith.constant 0 : i32
      %dma_start3A_399 = arith.constant 0 : i32
      %dma_start3A_400 = tpu.memref_slice %arg6[%dma_start3A_396, %dma_start3A_398, %dma_start3A_399] : memref<5x128x128xf32, #tpu.memory_space<vmem>> -> memref<1x128x128xf32, #tpu.memory_space<vmem>>
      %dma_start3A_401 = tpu.memref_squeeze %dma_start3A_400 : memref<1x128x128xf32, #tpu.memory_space<vmem>> -> memref<128x128xf32, #tpu.memory_space<vmem>>
      %dma_start3A_402 = arith.constant 0 : i32
      %dma_start3A_403 = tpu.memref_slice %arg4[%add3A_395, %dma_start3A_402] : memref<819200x128xf32, #tpu.memory_space<hbm>> -> memref<128x128xf32, #tpu.memory_space<hbm>>
      %dma_start3A_404 = tpu.memref_slice %arg8[%dma_start3A_397] : memref<5x!tpu.dma_semaphore, #tpu.memory_space<semaphore_mem>> -> memref<1x!tpu.dma_semaphore, #tpu.memory_space<semaphore_mem>>
      %dma_start3A_405 = tpu.memref_squeeze %dma_start3A_404 : memref<1x!tpu.dma_semaphore, #tpu.memory_space<semaphore_mem>> -> memref<!tpu.dma_semaphore, #tpu.memory_space<semaphore_mem>>
      %dma_start3A_406 = arith.constant 0 : i32
      %dma_start3A_407 = tpu.memref_slice %arg4[%add3A_395, %dma_start3A_406] : memref<819200x128xf32, #tpu.memory_space<hbm>> -> memref<128x128xf32, #tpu.memory_space<hbm>>
      %dma_start3A_408 = arith.constant 0 : i32
      %dma_start3A_409 = arith.constant 0 : i32
      %dma_start3A_410 = tpu.memref_slice %arg6[%dma_start3A_396, %dma_start3A_408, %dma_start3A_409] : memref<5x128x128xf32, #tpu.memory_space<vmem>> -> memref<1x128x128xf32, #tpu.memory_space<vmem>>
      %dma_start3A_411 = tpu.memref_squeeze %dma_start3A_410 : memref<1x128x128xf32, #tpu.memory_space<vmem>> -> memref<128x128xf32, #tpu.memory_space<vmem>>
      tpu.enqueue_dma source(%dma_start3A_411 : memref<128x128xf32, #tpu.memory_space<vmem>>) target(%dma_start3A_407 : memref<128x128xf32, #tpu.memory_space<hbm>>) target_semaphore(%dma_start3A_405 : memref<!tpu.dma_semaphore, #tpu.memory_space<semaphore_mem>>)
      %add3A_412 = arith.constant 1 : i32
      %add3A_413 = arith.addi %mul3A_340, %add3A_412 : i32
      %sub3A_414 = arith.constant 5 : i32
      %sub3A_415 = arith.subi %add3A_413, %sub3A_414 : i32
      %mul3A_416 = arith.constant 128 : i32
      %mul3A_417 = arith.muli %sub3A_415, %mul3A_416 : i32
      %add3A_418 = arith.addi %mul3A_2, %mul3A_417 : i32
      %dma_wait3A_419 = arith.constant 1 : i32
      %dma_wait3A_420 = arith.constant 1 : i32
      %dma_wait3A_421 = arith.constant 0 : i32
      %dma_wait3A_422 = arith.constant 0 : i32
      %dma_wait3A_423 = tpu.memref_slice %arg6[%dma_wait3A_419, %dma_wait3A_421, %dma_wait3A_422] : memref<5x128x128xf32, #tpu.memory_space<vmem>> -> memref<1x128x128xf32, #tpu.memory_space<vmem>>
      %dma_wait3A_424 = tpu.memref_squeeze %dma_wait3A_423 : memref<1x128x128xf32, #tpu.memory_space<vmem>> -> memref<128x128xf32, #tpu.memory_space<vmem>>
      %dma_wait3A_425 = arith.constant 0 : i32
      %dma_wait3A_426 = tpu.memref_slice %arg4[%add3A_418, %dma_wait3A_425] : memref<819200x128xf32, #tpu.memory_space<hbm>> -> memref<128x128xf32, #tpu.memory_space<hbm>>
      %dma_wait3A_427 = tpu.memref_slice %arg8[%dma_wait3A_420] : memref<5x!tpu.dma_semaphore, #tpu.memory_space<semaphore_mem>> -> memref<1x!tpu.dma_semaphore, #tpu.memory_space<semaphore_mem>>
      %dma_wait3A_428 = tpu.memref_squeeze %dma_wait3A_427 : memref<1x!tpu.dma_semaphore, #tpu.memory_space<semaphore_mem>> -> memref<!tpu.dma_semaphore, #tpu.memory_space<semaphore_mem>>
      %dma_wait3A_429 = arith.constant 0 : i32
      %dma_wait3A_430 = tpu.memref_slice %arg4[%add3A_418, %dma_wait3A_429] : memref<819200x128xf32, #tpu.memory_space<hbm>> -> memref<128x128xf32, #tpu.memory_space<hbm>>
      %dma_wait3A_431 = arith.constant 0 : i32
      %dma_wait3A_432 = arith.constant 0 : i32
      %dma_wait3A_433 = tpu.memref_slice %arg6[%dma_wait3A_419, %dma_wait3A_431, %dma_wait3A_432] : memref<5x128x128xf32, #tpu.memory_space<vmem>> -> memref<1x128x128xf32, #tpu.memory_space<vmem>>
      %dma_wait3A_434 = tpu.memref_squeeze %dma_wait3A_433 : memref<1x128x128xf32, #tpu.memory_space<vmem>> -> memref<128x128xf32, #tpu.memory_space<vmem>>
      tpu.wait_dma2 semaphore(%dma_wait3A_428 : memref<!tpu.dma_semaphore, #tpu.memory_space<semaphore_mem>>) src(%dma_wait3A_434 : memref<128x128xf32, #tpu.memory_space<vmem>>) dst(%dma_wait3A_430 : memref<128x128xf32, #tpu.memory_space<hbm>>)
      %dma_start3A_435 = arith.constant 1 : i32
      %dma_start3A_436 = arith.constant 1 : i32
      %dma_start3A_437 = arith.constant 0 : i32
      %dma_start3A_438 = arith.constant 0 : i32
      %dma_start3A_439 = tpu.memref_slice %arg6[%dma_start3A_435, %dma_start3A_437, %dma_start3A_438] : memref<5x128x128xf32, #tpu.memory_space<vmem>> -> memref<1x128x128xf32, #tpu.memory_space<vmem>>
      %dma_start3A_440 = tpu.memref_squeeze %dma_start3A_439 : memref<1x128x128xf32, #tpu.memory_space<vmem>> -> memref<128x128xf32, #tpu.memory_space<vmem>>
      %dma_start3A_441 = arith.constant 0 : i32
      %dma_start3A_442 = tpu.memref_slice %arg5[%add3A_413, %dma_start3A_441] : memref<200x128xi32, #tpu.memory_space<vmem>> -> memref<1x128xi32, #tpu.memory_space<vmem>>
      %dma_start3A_443 = tpu.memref_squeeze %dma_start3A_442 : memref<1x128xi32, #tpu.memory_space<vmem>> -> memref<128xi32, #tpu.memory_space<vmem>>
      %dma_start3A_444 = arith.constant 0 : i32
      %dma_start3A_445 = arith.constant 0 : i32
      %dma_start3A_446 = tpu.memref_slice %arg2[%dma_start3A_444, %dma_start3A_445] : memref<100000x128xf32, #tpu.memory_space<hbm>> -> memref<100000x128xf32, #tpu.memory_space<hbm>>
      %dma_start3A_447 = tpu.memref_slice %arg7[%dma_start3A_436] : memref<5x!tpu.dma_semaphore, #tpu.memory_space<semaphore_mem>> -> memref<1x!tpu.dma_semaphore, #tpu.memory_space<semaphore_mem>>
      %dma_start3A_448 = tpu.memref_squeeze %dma_start3A_447 : memref<1x!tpu.dma_semaphore, #tpu.memory_space<semaphore_mem>> -> memref<!tpu.dma_semaphore, #tpu.memory_space<semaphore_mem>>
      tpu.enqueue_indirect_dma source(%dma_start3A_446 : memref<100000x128xf32, #tpu.memory_space<hbm>>) target(%dma_start3A_440 : memref<128x128xf32, #tpu.memory_space<vmem>>) offsets(%dma_start3A_443 : memref<128xi32, #tpu.memory_space<vmem>>) semaphore(%dma_start3A_448 : memref<!tpu.dma_semaphore, #tpu.memory_space<semaphore_mem>>)
      %sub3A_449 = arith.constant 2 : i32
      %sub3A_450 = arith.subi %add3A_413, %sub3A_449 : i32
      %dma_wait3A_451 = arith.constant 4 : i32
      %dma_wait3A_452 = arith.constant 4 : i32
      %dma_wait3A_453 = arith.constant 0 : i32
      %dma_wait3A_454 = arith.constant 0 : i32
      %dma_wait3A_455 = tpu.memref_slice %arg6[%dma_wait3A_451, %dma_wait3A_453, %dma_wait3A_454] : memref<5x128x128xf32, #tpu.memory_space<vmem>> -> memref<1x128x128xf32, #tpu.memory_space<vmem>>
      %dma_wait3A_456 = tpu.memref_squeeze %dma_wait3A_455 : memref<1x128x128xf32, #tpu.memory_space<vmem>> -> memref<128x128xf32, #tpu.memory_space<vmem>>
      %dma_wait3A_457 = arith.constant 0 : i32
      %dma_wait3A_458 = tpu.memref_slice %arg5[%sub3A_450, %dma_wait3A_457] : memref<200x128xi32, #tpu.memory_space<vmem>> -> memref<1x128xi32, #tpu.memory_space<vmem>>
      %dma_wait3A_459 = tpu.memref_squeeze %dma_wait3A_458 : memref<1x128xi32, #tpu.memory_space<vmem>> -> memref<128xi32, #tpu.memory_space<vmem>>
      %dma_wait3A_460 = arith.constant 0 : i32
      %dma_wait3A_461 = arith.constant 0 : i32
      %dma_wait3A_462 = tpu.memref_slice %arg2[%dma_wait3A_460, %dma_wait3A_461] : memref<100000x128xf32, #tpu.memory_space<hbm>> -> memref<100000x128xf32, #tpu.memory_space<hbm>>
      %dma_wait3A_463 = tpu.memref_slice %arg7[%dma_wait3A_452] : memref<5x!tpu.dma_semaphore, #tpu.memory_space<semaphore_mem>> -> memref<1x!tpu.dma_semaphore, #tpu.memory_space<semaphore_mem>>
      %dma_wait3A_464 = tpu.memref_squeeze %dma_wait3A_463 : memref<1x!tpu.dma_semaphore, #tpu.memory_space<semaphore_mem>> -> memref<!tpu.dma_semaphore, #tpu.memory_space<semaphore_mem>>
      tpu.wait_indirect_dma semaphore(%dma_wait3A_464 : memref<!tpu.dma_semaphore, #tpu.memory_space<semaphore_mem>>) src(%dma_wait3A_462 : memref<100000x128xf32, #tpu.memory_space<hbm>>) dst(%dma_wait3A_456 : memref<128x128xf32, #tpu.memory_space<vmem>>)
      %mul3A_465 = arith.constant 128 : i32
      %mul3A_466 = arith.muli %sub3A_450, %mul3A_465 : i32
      %add3A_467 = arith.addi %mul3A_2, %mul3A_466 : i32
      %dma_start3A_468 = arith.constant 4 : i32
      %dma_start3A_469 = arith.constant 4 : i32
      %dma_start3A_470 = arith.constant 0 : i32
      %dma_start3A_471 = arith.constant 0 : i32
      %dma_start3A_472 = tpu.memref_slice %arg6[%dma_start3A_468, %dma_start3A_470, %dma_start3A_471] : memref<5x128x128xf32, #tpu.memory_space<vmem>> -> memref<1x128x128xf32, #tpu.memory_space<vmem>>
      %dma_start3A_473 = tpu.memref_squeeze %dma_start3A_472 : memref<1x128x128xf32, #tpu.memory_space<vmem>> -> memref<128x128xf32, #tpu.memory_space<vmem>>
      %dma_start3A_474 = arith.constant 0 : i32
      %dma_start3A_475 = tpu.memref_slice %arg4[%add3A_467, %dma_start3A_474] : memref<819200x128xf32, #tpu.memory_space<hbm>> -> memref<128x128xf32, #tpu.memory_space<hbm>>
      %dma_start3A_476 = tpu.memref_slice %arg8[%dma_start3A_469] : memref<5x!tpu.dma_semaphore, #tpu.memory_space<semaphore_mem>> -> memref<1x!tpu.dma_semaphore, #tpu.memory_space<semaphore_mem>>
      %dma_start3A_477 = tpu.memref_squeeze %dma_start3A_476 : memref<1x!tpu.dma_semaphore, #tpu.memory_space<semaphore_mem>> -> memref<!tpu.dma_semaphore, #tpu.memory_space<semaphore_mem>>
      %dma_start3A_478 = arith.constant 0 : i32
      %dma_start3A_479 = tpu.memref_slice %arg4[%add3A_467, %dma_start3A_478] : memref<819200x128xf32, #tpu.memory_space<hbm>> -> memref<128x128xf32, #tpu.memory_space<hbm>>
      %dma_start3A_480 = arith.constant 0 : i32
      %dma_start3A_481 = arith.constant 0 : i32
      %dma_start3A_482 = tpu.memref_slice %arg6[%dma_start3A_468, %dma_start3A_480, %dma_start3A_481] : memref<5x128x128xf32, #tpu.memory_space<vmem>> -> memref<1x128x128xf32, #tpu.memory_space<vmem>>
      %dma_start3A_483 = tpu.memref_squeeze %dma_start3A_482 : memref<1x128x128xf32, #tpu.memory_space<vmem>> -> memref<128x128xf32, #tpu.memory_space<vmem>>
      tpu.enqueue_dma source(%dma_start3A_483 : memref<128x128xf32, #tpu.memory_space<vmem>>) target(%dma_start3A_479 : memref<128x128xf32, #tpu.memory_space<hbm>>) target_semaphore(%dma_start3A_477 : memref<!tpu.dma_semaphore, #tpu.memory_space<semaphore_mem>>)
      %add3A_484 = arith.constant 2 : i32
      %add3A_485 = arith.addi %mul3A_340, %add3A_484 : i32
      %sub3A_486 = arith.constant 5 : i32
      %sub3A_487 = arith.subi %add3A_485, %sub3A_486 : i32
      %mul3A_488 = arith.constant 128 : i32
      %mul3A_489 = arith.muli %sub3A_487, %mul3A_488 : i32
      %add3A_490 = arith.addi %mul3A_2, %mul3A_489 : i32
      %dma_wait3A_491 = arith.constant 2 : i32
      %dma_wait3A_492 = arith.constant 2 : i32
      %dma_wait3A_493 = arith.constant 0 : i32
      %dma_wait3A_494 = arith.constant 0 : i32
      %dma_wait3A_495 = tpu.memref_slice %arg6[%dma_wait3A_491, %dma_wait3A_493, %dma_wait3A_494] : memref<5x128x128xf32, #tpu.memory_space<vmem>> -> memref<1x128x128xf32, #tpu.memory_space<vmem>>
      %dma_wait3A_496 = tpu.memref_squeeze %dma_wait3A_495 : memref<1x128x128xf32, #tpu.memory_space<vmem>> -> memref<128x128xf32, #tpu.memory_space<vmem>>
      %dma_wait3A_497 = arith.constant 0 : i32
      %dma_wait3A_498 = tpu.memref_slice %arg4[%add3A_490, %dma_wait3A_497] : memref<819200x128xf32, #tpu.memory_space<hbm>> -> memref<128x128xf32, #tpu.memory_space<hbm>>
      %dma_wait3A_499 = tpu.memref_slice %arg8[%dma_wait3A_492] : memref<5x!tpu.dma_semaphore, #tpu.memory_space<semaphore_mem>> -> memref<1x!tpu.dma_semaphore, #tpu.memory_space<semaphore_mem>>
      %dma_wait3A_500 = tpu.memref_squeeze %dma_wait3A_499 : memref<1x!tpu.dma_semaphore, #tpu.memory_space<semaphore_mem>> -> memref<!tpu.dma_semaphore, #tpu.memory_space<semaphore_mem>>
      %dma_wait3A_501 = arith.constant 0 : i32
      %dma_wait3A_502 = tpu.memref_slice %arg4[%add3A_490, %dma_wait3A_501] : memref<819200x128xf32, #tpu.memory_space<hbm>> -> memref<128x128xf32, #tpu.memory_space<hbm>>
      %dma_wait3A_503 = arith.constant 0 : i32
      %dma_wait3A_504 = arith.constant 0 : i32
      %dma_wait3A_505 = tpu.memref_slice %arg6[%dma_wait3A_491, %dma_wait3A_503, %dma_wait3A_504] : memref<5x128x128xf32, #tpu.memory_space<vmem>> -> memref<1x128x128xf32, #tpu.memory_space<vmem>>
      %dma_wait3A_506 = tpu.memref_squeeze %dma_wait3A_505 : memref<1x128x128xf32, #tpu.memory_space<vmem>> -> memref<128x128xf32, #tpu.memory_space<vmem>>
      tpu.wait_dma2 semaphore(%dma_wait3A_500 : memref<!tpu.dma_semaphore, #tpu.memory_space<semaphore_mem>>) src(%dma_wait3A_506 : memref<128x128xf32, #tpu.memory_space<vmem>>) dst(%dma_wait3A_502 : memref<128x128xf32, #tpu.memory_space<hbm>>)
      %dma_start3A_507 = arith.constant 2 : i32
      %dma_start3A_508 = arith.constant 2 : i32
      %dma_start3A_509 = arith.constant 0 : i32
      %dma_start3A_510 = arith.constant 0 : i32
      %dma_start3A_511 = tpu.memref_slice %arg6[%dma_start3A_507, %dma_start3A_509, %dma_start3A_510] : memref<5x128x128xf32, #tpu.memory_space<vmem>> -> memref<1x128x128xf32, #tpu.memory_space<vmem>>
      %dma_start3A_512 = tpu.memref_squeeze %dma_start3A_511 : memref<1x128x128xf32, #tpu.memory_space<vmem>> -> memref<128x128xf32, #tpu.memory_space<vmem>>
      %dma_start3A_513 = arith.constant 0 : i32
      %dma_start3A_514 = tpu.memref_slice %arg5[%add3A_485, %dma_start3A_513] : memref<200x128xi32, #tpu.memory_space<vmem>> -> memref<1x128xi32, #tpu.memory_space<vmem>>
      %dma_start3A_515 = tpu.memref_squeeze %dma_start3A_514 : memref<1x128xi32, #tpu.memory_space<vmem>> -> memref<128xi32, #tpu.memory_space<vmem>>
      %dma_start3A_516 = arith.constant 0 : i32
      %dma_start3A_517 = arith.constant 0 : i32
      %dma_start3A_518 = tpu.memref_slice %arg2[%dma_start3A_516, %dma_start3A_517] : memref<100000x128xf32, #tpu.memory_space<hbm>> -> memref<100000x128xf32, #tpu.memory_space<hbm>>
      %dma_start3A_519 = tpu.memref_slice %arg7[%dma_start3A_508] : memref<5x!tpu.dma_semaphore, #tpu.memory_space<semaphore_mem>> -> memref<1x!tpu.dma_semaphore, #tpu.memory_space<semaphore_mem>>
      %dma_start3A_520 = tpu.memref_squeeze %dma_start3A_519 : memref<1x!tpu.dma_semaphore, #tpu.memory_space<semaphore_mem>> -> memref<!tpu.dma_semaphore, #tpu.memory_space<semaphore_mem>>
      tpu.enqueue_indirect_dma source(%dma_start3A_518 : memref<100000x128xf32, #tpu.memory_space<hbm>>) target(%dma_start3A_512 : memref<128x128xf32, #tpu.memory_space<vmem>>) offsets(%dma_start3A_515 : memref<128xi32, #tpu.memory_space<vmem>>) semaphore(%dma_start3A_520 : memref<!tpu.dma_semaphore, #tpu.memory_space<semaphore_mem>>)
      %sub3A_521 = arith.constant 2 : i32
      %sub3A_522 = arith.subi %add3A_485, %sub3A_521 : i32
      %dma_wait3A_523 = arith.constant 0 : i32
      %dma_wait3A_524 = arith.constant 0 : i32
      %dma_wait3A_525 = arith.constant 0 : i32
      %dma_wait3A_526 = arith.constant 0 : i32
      %dma_wait3A_527 = tpu.memref_slice %arg6[%dma_wait3A_523, %dma_wait3A_525, %dma_wait3A_526] : memref<5x128x128xf32, #tpu.memory_space<vmem>> -> memref<1x128x128xf32, #tpu.memory_space<vmem>>
      %dma_wait3A_528 = tpu.memref_squeeze %dma_wait3A_527 : memref<1x128x128xf32, #tpu.memory_space<vmem>> -> memref<128x128xf32, #tpu.memory_space<vmem>>
      %dma_wait3A_529 = arith.constant 0 : i32
      %dma_wait3A_530 = tpu.memref_slice %arg5[%sub3A_522, %dma_wait3A_529] : memref<200x128xi32, #tpu.memory_space<vmem>> -> memref<1x128xi32, #tpu.memory_space<vmem>>
      %dma_wait3A_531 = tpu.memref_squeeze %dma_wait3A_530 : memref<1x128xi32, #tpu.memory_space<vmem>> -> memref<128xi32, #tpu.memory_space<vmem>>
      %dma_wait3A_532 = arith.constant 0 : i32
      %dma_wait3A_533 = arith.constant 0 : i32
      %dma_wait3A_534 = tpu.memref_slice %arg2[%dma_wait3A_532, %dma_wait3A_533] : memref<100000x128xf32, #tpu.memory_space<hbm>> -> memref<100000x128xf32, #tpu.memory_space<hbm>>
      %dma_wait3A_535 = tpu.memref_slice %arg7[%dma_wait3A_524] : memref<5x!tpu.dma_semaphore, #tpu.memory_space<semaphore_mem>> -> memref<1x!tpu.dma_semaphore, #tpu.memory_space<semaphore_mem>>
      %dma_wait3A_536 = tpu.memref_squeeze %dma_wait3A_535 : memref<1x!tpu.dma_semaphore, #tpu.memory_space<semaphore_mem>> -> memref<!tpu.dma_semaphore, #tpu.memory_space<semaphore_mem>>
      tpu.wait_indirect_dma semaphore(%dma_wait3A_536 : memref<!tpu.dma_semaphore, #tpu.memory_space<semaphore_mem>>) src(%dma_wait3A_534 : memref<100000x128xf32, #tpu.memory_space<hbm>>) dst(%dma_wait3A_528 : memref<128x128xf32, #tpu.memory_space<vmem>>)
      %mul3A_537 = arith.constant 128 : i32
      %mul3A_538 = arith.muli %sub3A_522, %mul3A_537 : i32
      %add3A_539 = arith.addi %mul3A_2, %mul3A_538 : i32
      %dma_start3A_540 = arith.constant 0 : i32
      %dma_start3A_541 = arith.constant 0 : i32
      %dma_start3A_542 = arith.constant 0 : i32
      %dma_start3A_543 = arith.constant 0 : i32
      %dma_start3A_544 = tpu.memref_slice %arg6[%dma_start3A_540, %dma_start3A_542, %dma_start3A_543] : memref<5x128x128xf32, #tpu.memory_space<vmem>> -> memref<1x128x128xf32, #tpu.memory_space<vmem>>
      %dma_start3A_545 = tpu.memref_squeeze %dma_start3A_544 : memref<1x128x128xf32, #tpu.memory_space<vmem>> -> memref<128x128xf32, #tpu.memory_space<vmem>>
      %dma_start3A_546 = arith.constant 0 : i32
      %dma_start3A_547 = tpu.memref_slice %arg4[%add3A_539, %dma_start3A_546] : memref<819200x128xf32, #tpu.memory_space<hbm>> -> memref<128x128xf32, #tpu.memory_space<hbm>>
      %dma_start3A_548 = tpu.memref_slice %arg8[%dma_start3A_541] : memref<5x!tpu.dma_semaphore, #tpu.memory_space<semaphore_mem>> -> memref<1x!tpu.dma_semaphore, #tpu.memory_space<semaphore_mem>>
      %dma_start3A_549 = tpu.memref_squeeze %dma_start3A_548 : memref<1x!tpu.dma_semaphore, #tpu.memory_space<semaphore_mem>> -> memref<!tpu.dma_semaphore, #tpu.memory_space<semaphore_mem>>
      %dma_start3A_550 = arith.constant 0 : i32
      %dma_start3A_551 = tpu.memref_slice %arg4[%add3A_539, %dma_start3A_550] : memref<819200x128xf32, #tpu.memory_space<hbm>> -> memref<128x128xf32, #tpu.memory_space<hbm>>
      %dma_start3A_552 = arith.constant 0 : i32
      %dma_start3A_553 = arith.constant 0 : i32
      %dma_start3A_554 = tpu.memref_slice %arg6[%dma_start3A_540, %dma_start3A_552, %dma_start3A_553] : memref<5x128x128xf32, #tpu.memory_space<vmem>> -> memref<1x128x128xf32, #tpu.memory_space<vmem>>
      %dma_start3A_555 = tpu.memref_squeeze %dma_start3A_554 : memref<1x128x128xf32, #tpu.memory_space<vmem>> -> memref<128x128xf32, #tpu.memory_space<vmem>>
      tpu.enqueue_dma source(%dma_start3A_555 : memref<128x128xf32, #tpu.memory_space<vmem>>) target(%dma_start3A_551 : memref<128x128xf32, #tpu.memory_space<hbm>>) target_semaphore(%dma_start3A_549 : memref<!tpu.dma_semaphore, #tpu.memory_space<semaphore_mem>>)
      %add3A_556 = arith.constant 3 : i32
      %add3A_557 = arith.addi %mul3A_340, %add3A_556 : i32
      %sub3A_558 = arith.constant 5 : i32
      %sub3A_559 = arith.subi %add3A_557, %sub3A_558 : i32
      %mul3A_560 = arith.constant 128 : i32
      %mul3A_561 = arith.muli %sub3A_559, %mul3A_560 : i32
      %add3A_562 = arith.addi %mul3A_2, %mul3A_561 : i32
      %dma_wait3A_563 = arith.constant 3 : i32
      %dma_wait3A_564 = arith.constant 3 : i32
      %dma_wait3A_565 = arith.constant 0 : i32
      %dma_wait3A_566 = arith.constant 0 : i32
      %dma_wait3A_567 = tpu.memref_slice %arg6[%dma_wait3A_563, %dma_wait3A_565, %dma_wait3A_566] : memref<5x128x128xf32, #tpu.memory_space<vmem>> -> memref<1x128x128xf32, #tpu.memory_space<vmem>>
      %dma_wait3A_568 = tpu.memref_squeeze %dma_wait3A_567 : memref<1x128x128xf32, #tpu.memory_space<vmem>> -> memref<128x128xf32, #tpu.memory_space<vmem>>
      %dma_wait3A_569 = arith.constant 0 : i32
      %dma_wait3A_570 = tpu.memref_slice %arg4[%add3A_562, %dma_wait3A_569] : memref<819200x128xf32, #tpu.memory_space<hbm>> -> memref<128x128xf32, #tpu.memory_space<hbm>>
      %dma_wait3A_571 = tpu.memref_slice %arg8[%dma_wait3A_564] : memref<5x!tpu.dma_semaphore, #tpu.memory_space<semaphore_mem>> -> memref<1x!tpu.dma_semaphore, #tpu.memory_space<semaphore_mem>>
      %dma_wait3A_572 = tpu.memref_squeeze %dma_wait3A_571 : memref<1x!tpu.dma_semaphore, #tpu.memory_space<semaphore_mem>> -> memref<!tpu.dma_semaphore, #tpu.memory_space<semaphore_mem>>
      %dma_wait3A_573 = arith.constant 0 : i32
      %dma_wait3A_574 = tpu.memref_slice %arg4[%add3A_562, %dma_wait3A_573] : memref<819200x128xf32, #tpu.memory_space<hbm>> -> memref<128x128xf32, #tpu.memory_space<hbm>>
      %dma_wait3A_575 = arith.constant 0 : i32
      %dma_wait3A_576 = arith.constant 0 : i32
      %dma_wait3A_577 = tpu.memref_slice %arg6[%dma_wait3A_563, %dma_wait3A_575, %dma_wait3A_576] : memref<5x128x128xf32, #tpu.memory_space<vmem>> -> memref<1x128x128xf32, #tpu.memory_space<vmem>>
      %dma_wait3A_578 = tpu.memref_squeeze %dma_wait3A_577 : memref<1x128x128xf32, #tpu.memory_space<vmem>> -> memref<128x128xf32, #tpu.memory_space<vmem>>
      tpu.wait_dma2 semaphore(%dma_wait3A_572 : memref<!tpu.dma_semaphore, #tpu.memory_space<semaphore_mem>>) src(%dma_wait3A_578 : memref<128x128xf32, #tpu.memory_space<vmem>>) dst(%dma_wait3A_574 : memref<128x128xf32, #tpu.memory_space<hbm>>)
      %dma_start3A_579 = arith.constant 3 : i32
      %dma_start3A_580 = arith.constant 3 : i32
      %dma_start3A_581 = arith.constant 0 : i32
      %dma_start3A_582 = arith.constant 0 : i32
      %dma_start3A_583 = tpu.memref_slice %arg6[%dma_start3A_579, %dma_start3A_581, %dma_start3A_582] : memref<5x128x128xf32, #tpu.memory_space<vmem>> -> memref<1x128x128xf32, #tpu.memory_space<vmem>>
      %dma_start3A_584 = tpu.memref_squeeze %dma_start3A_583 : memref<1x128x128xf32, #tpu.memory_space<vmem>> -> memref<128x128xf32, #tpu.memory_space<vmem>>
      %dma_start3A_585 = arith.constant 0 : i32
      %dma_start3A_586 = tpu.memref_slice %arg5[%add3A_557, %dma_start3A_585] : memref<200x128xi32, #tpu.memory_space<vmem>> -> memref<1x128xi32, #tpu.memory_space<vmem>>
      %dma_start3A_587 = tpu.memref_squeeze %dma_start3A_586 : memref<1x128xi32, #tpu.memory_space<vmem>> -> memref<128xi32, #tpu.memory_space<vmem>>
      %dma_start3A_588 = arith.constant 0 : i32
      %dma_start3A_589 = arith.constant 0 : i32
      %dma_start3A_590 = tpu.memref_slice %arg2[%dma_start3A_588, %dma_start3A_589] : memref<100000x128xf32, #tpu.memory_space<hbm>> -> memref<100000x128xf32, #tpu.memory_space<hbm>>
      %dma_start3A_591 = tpu.memref_slice %arg7[%dma_start3A_580] : memref<5x!tpu.dma_semaphore, #tpu.memory_space<semaphore_mem>> -> memref<1x!tpu.dma_semaphore, #tpu.memory_space<semaphore_mem>>
      %dma_start3A_592 = tpu.memref_squeeze %dma_start3A_591 : memref<1x!tpu.dma_semaphore, #tpu.memory_space<semaphore_mem>> -> memref<!tpu.dma_semaphore, #tpu.memory_space<semaphore_mem>>
      tpu.enqueue_indirect_dma source(%dma_start3A_590 : memref<100000x128xf32, #tpu.memory_space<hbm>>) target(%dma_start3A_584 : memref<128x128xf32, #tpu.memory_space<vmem>>) offsets(%dma_start3A_587 : memref<128xi32, #tpu.memory_space<vmem>>) semaphore(%dma_start3A_592 : memref<!tpu.dma_semaphore, #tpu.memory_space<semaphore_mem>>)
      %sub3A_593 = arith.constant 2 : i32
      %sub3A_594 = arith.subi %add3A_557, %sub3A_593 : i32
      %dma_wait3A_595 = arith.constant 1 : i32
      %dma_wait3A_596 = arith.constant 1 : i32
      %dma_wait3A_597 = arith.constant 0 : i32
      %dma_wait3A_598 = arith.constant 0 : i32
      %dma_wait3A_599 = tpu.memref_slice %arg6[%dma_wait3A_595, %dma_wait3A_597, %dma_wait3A_598] : memref<5x128x128xf32, #tpu.memory_space<vmem>> -> memref<1x128x128xf32, #tpu.memory_space<vmem>>
      %dma_wait3A_600 = tpu.memref_squeeze %dma_wait3A_599 : memref<1x128x128xf32, #tpu.memory_space<vmem>> -> memref<128x128xf32, #tpu.memory_space<vmem>>
      %dma_wait3A_601 = arith.constant 0 : i32
      %dma_wait3A_602 = tpu.memref_slice %arg5[%sub3A_594, %dma_wait3A_601] : memref<200x128xi32, #tpu.memory_space<vmem>> -> memref<1x128xi32, #tpu.memory_space<vmem>>
      %dma_wait3A_603 = tpu.memref_squeeze %dma_wait3A_602 : memref<1x128xi32, #tpu.memory_space<vmem>> -> memref<128xi32, #tpu.memory_space<vmem>>
      %dma_wait3A_604 = arith.constant 0 : i32
      %dma_wait3A_605 = arith.constant 0 : i32
      %dma_wait3A_606 = tpu.memref_slice %arg2[%dma_wait3A_604, %dma_wait3A_605] : memref<100000x128xf32, #tpu.memory_space<hbm>> -> memref<100000x128xf32, #tpu.memory_space<hbm>>
      %dma_wait3A_607 = tpu.memref_slice %arg7[%dma_wait3A_596] : memref<5x!tpu.dma_semaphore, #tpu.memory_space<semaphore_mem>> -> memref<1x!tpu.dma_semaphore, #tpu.memory_space<semaphore_mem>>
      %dma_wait3A_608 = tpu.memref_squeeze %dma_wait3A_607 : memref<1x!tpu.dma_semaphore, #tpu.memory_space<semaphore_mem>> -> memref<!tpu.dma_semaphore, #tpu.memory_space<semaphore_mem>>
      tpu.wait_indirect_dma semaphore(%dma_wait3A_608 : memref<!tpu.dma_semaphore, #tpu.memory_space<semaphore_mem>>) src(%dma_wait3A_606 : memref<100000x128xf32, #tpu.memory_space<hbm>>) dst(%dma_wait3A_600 : memref<128x128xf32, #tpu.memory_space<vmem>>)
      %mul3A_609 = arith.constant 128 : i32
      %mul3A_610 = arith.muli %sub3A_594, %mul3A_609 : i32
      %add3A_611 = arith.addi %mul3A_2, %mul3A_610 : i32
      %dma_start3A_612 = arith.constant 1 : i32
      %dma_start3A_613 = arith.constant 1 : i32
      %dma_start3A_614 = arith.constant 0 : i32
      %dma_start3A_615 = arith.constant 0 : i32
      %dma_start3A_616 = tpu.memref_slice %arg6[%dma_start3A_612, %dma_start3A_614, %dma_start3A_615] : memref<5x128x128xf32, #tpu.memory_space<vmem>> -> memref<1x128x128xf32, #tpu.memory_space<vmem>>
      %dma_start3A_617 = tpu.memref_squeeze %dma_start3A_616 : memref<1x128x128xf32, #tpu.memory_space<vmem>> -> memref<128x128xf32, #tpu.memory_space<vmem>>
      %dma_start3A_618 = arith.constant 0 : i32
      %dma_start3A_619 = tpu.memref_slice %arg4[%add3A_611, %dma_start3A_618] : memref<819200x128xf32, #tpu.memory_space<hbm>> -> memref<128x128xf32, #tpu.memory_space<hbm>>
      %dma_start3A_620 = tpu.memref_slice %arg8[%dma_start3A_613] : memref<5x!tpu.dma_semaphore, #tpu.memory_space<semaphore_mem>> -> memref<1x!tpu.dma_semaphore, #tpu.memory_space<semaphore_mem>>
      %dma_start3A_621 = tpu.memref_squeeze %dma_start3A_620 : memref<1x!tpu.dma_semaphore, #tpu.memory_space<semaphore_mem>> -> memref<!tpu.dma_semaphore, #tpu.memory_space<semaphore_mem>>
      %dma_start3A_622 = arith.constant 0 : i32
      %dma_start3A_623 = tpu.memref_slice %arg4[%add3A_611, %dma_start3A_622] : memref<819200x128xf32, #tpu.memory_space<hbm>> -> memref<128x128xf32, #tpu.memory_space<hbm>>
      %dma_start3A_624 = arith.constant 0 : i32
      %dma_start3A_625 = arith.constant 0 : i32
      %dma_start3A_626 = tpu.memref_slice %arg6[%dma_start3A_612, %dma_start3A_624, %dma_start3A_625] : memref<5x128x128xf32, #tpu.memory_space<vmem>> -> memref<1x128x128xf32, #tpu.memory_space<vmem>>
      %dma_start3A_627 = tpu.memref_squeeze %dma_start3A_626 : memref<1x128x128xf32, #tpu.memory_space<vmem>> -> memref<128x128xf32, #tpu.memory_space<vmem>>
      tpu.enqueue_dma source(%dma_start3A_627 : memref<128x128xf32, #tpu.memory_space<vmem>>) target(%dma_start3A_623 : memref<128x128xf32, #tpu.memory_space<hbm>>) target_semaphore(%dma_start3A_621 : memref<!tpu.dma_semaphore, #tpu.memory_space<semaphore_mem>>)
      %add3A_628 = arith.constant 4 : i32
      %add3A_629 = arith.addi %mul3A_340, %add3A_628 : i32
      %sub3A_630 = arith.constant 5 : i32
      %sub3A_631 = arith.subi %add3A_629, %sub3A_630 : i32
      %mul3A_632 = arith.constant 128 : i32
      %mul3A_633 = arith.muli %sub3A_631, %mul3A_632 : i32
      %add3A_634 = arith.addi %mul3A_2, %mul3A_633 : i32
      %dma_wait3A_635 = arith.constant 4 : i32
      %dma_wait3A_636 = arith.constant 4 : i32
      %dma_wait3A_637 = arith.constant 0 : i32
      %dma_wait3A_638 = arith.constant 0 : i32
      %dma_wait3A_639 = tpu.memref_slice %arg6[%dma_wait3A_635, %dma_wait3A_637, %dma_wait3A_638] : memref<5x128x128xf32, #tpu.memory_space<vmem>> -> memref<1x128x128xf32, #tpu.memory_space<vmem>>
      %dma_wait3A_640 = tpu.memref_squeeze %dma_wait3A_639 : memref<1x128x128xf32, #tpu.memory_space<vmem>> -> memref<128x128xf32, #tpu.memory_space<vmem>>
      %dma_wait3A_641 = arith.constant 0 : i32
      %dma_wait3A_642 = tpu.memref_slice %arg4[%add3A_634, %dma_wait3A_641] : memref<819200x128xf32, #tpu.memory_space<hbm>> -> memref<128x128xf32, #tpu.memory_space<hbm>>
      %dma_wait3A_643 = tpu.memref_slice %arg8[%dma_wait3A_636] : memref<5x!tpu.dma_semaphore, #tpu.memory_space<semaphore_mem>> -> memref<1x!tpu.dma_semaphore, #tpu.memory_space<semaphore_mem>>
      %dma_wait3A_644 = tpu.memref_squeeze %dma_wait3A_643 : memref<1x!tpu.dma_semaphore, #tpu.memory_space<semaphore_mem>> -> memref<!tpu.dma_semaphore, #tpu.memory_space<semaphore_mem>>
      %dma_wait3A_645 = arith.constant 0 : i32
      %dma_wait3A_646 = tpu.memref_slice %arg4[%add3A_634, %dma_wait3A_645] : memref<819200x128xf32, #tpu.memory_space<hbm>> -> memref<128x128xf32, #tpu.memory_space<hbm>>
      %dma_wait3A_647 = arith.constant 0 : i32
      %dma_wait3A_648 = arith.constant 0 : i32
      %dma_wait3A_649 = tpu.memref_slice %arg6[%dma_wait3A_635, %dma_wait3A_647, %dma_wait3A_648] : memref<5x128x128xf32, #tpu.memory_space<vmem>> -> memref<1x128x128xf32, #tpu.memory_space<vmem>>
      %dma_wait3A_650 = tpu.memref_squeeze %dma_wait3A_649 : memref<1x128x128xf32, #tpu.memory_space<vmem>> -> memref<128x128xf32, #tpu.memory_space<vmem>>
      tpu.wait_dma2 semaphore(%dma_wait3A_644 : memref<!tpu.dma_semaphore, #tpu.memory_space<semaphore_mem>>) src(%dma_wait3A_650 : memref<128x128xf32, #tpu.memory_space<vmem>>) dst(%dma_wait3A_646 : memref<128x128xf32, #tpu.memory_space<hbm>>)
      %dma_start3A_651 = arith.constant 4 : i32
      %dma_start3A_652 = arith.constant 4 : i32
      %dma_start3A_653 = arith.constant 0 : i32
      %dma_start3A_654 = arith.constant 0 : i32
      %dma_start3A_655 = tpu.memref_slice %arg6[%dma_start3A_651, %dma_start3A_653, %dma_start3A_654] : memref<5x128x128xf32, #tpu.memory_space<vmem>> -> memref<1x128x128xf32, #tpu.memory_space<vmem>>
      %dma_start3A_656 = tpu.memref_squeeze %dma_start3A_655 : memref<1x128x128xf32, #tpu.memory_space<vmem>> -> memref<128x128xf32, #tpu.memory_space<vmem>>
      %dma_start3A_657 = arith.constant 0 : i32
      %dma_start3A_658 = tpu.memref_slice %arg5[%add3A_629, %dma_start3A_657] : memref<200x128xi32, #tpu.memory_space<vmem>> -> memref<1x128xi32, #tpu.memory_space<vmem>>
      %dma_start3A_659 = tpu.memref_squeeze %dma_start3A_658 : memref<1x128xi32, #tpu.memory_space<vmem>> -> memref<128xi32, #tpu.memory_space<vmem>>
      %dma_start3A_660 = arith.constant 0 : i32
      %dma_start3A_661 = arith.constant 0 : i32
      %dma_start3A_662 = tpu.memref_slice %arg2[%dma_start3A_660, %dma_start3A_661] : memref<100000x128xf32, #tpu.memory_space<hbm>> -> memref<100000x128xf32, #tpu.memory_space<hbm>>
      %dma_start3A_663 = tpu.memref_slice %arg7[%dma_start3A_652] : memref<5x!tpu.dma_semaphore, #tpu.memory_space<semaphore_mem>> -> memref<1x!tpu.dma_semaphore, #tpu.memory_space<semaphore_mem>>
      %dma_start3A_664 = tpu.memref_squeeze %dma_start3A_663 : memref<1x!tpu.dma_semaphore, #tpu.memory_space<semaphore_mem>> -> memref<!tpu.dma_semaphore, #tpu.memory_space<semaphore_mem>>
      tpu.enqueue_indirect_dma source(%dma_start3A_662 : memref<100000x128xf32, #tpu.memory_space<hbm>>) target(%dma_start3A_656 : memref<128x128xf32, #tpu.memory_space<vmem>>) offsets(%dma_start3A_659 : memref<128xi32, #tpu.memory_space<vmem>>) semaphore(%dma_start3A_664 : memref<!tpu.dma_semaphore, #tpu.memory_space<semaphore_mem>>)
      %sub3A_665 = arith.constant 2 : i32
      %sub3A_666 = arith.subi %add3A_629, %sub3A_665 : i32
      %dma_wait3A_667 = arith.constant 2 : i32
      %dma_wait3A_668 = arith.constant 2 : i32
      %dma_wait3A_669 = arith.constant 0 : i32
      %dma_wait3A_670 = arith.constant 0 : i32
      %dma_wait3A_671 = tpu.memref_slice %arg6[%dma_wait3A_667, %dma_wait3A_669, %dma_wait3A_670] : memref<5x128x128xf32, #tpu.memory_space<vmem>> -> memref<1x128x128xf32, #tpu.memory_space<vmem>>
      %dma_wait3A_672 = tpu.memref_squeeze %dma_wait3A_671 : memref<1x128x128xf32, #tpu.memory_space<vmem>> -> memref<128x128xf32, #tpu.memory_space<vmem>>
      %dma_wait3A_673 = arith.constant 0 : i32
      %dma_wait3A_674 = tpu.memref_slice %arg5[%sub3A_666, %dma_wait3A_673] : memref<200x128xi32, #tpu.memory_space<vmem>> -> memref<1x128xi32, #tpu.memory_space<vmem>>
      %dma_wait3A_675 = tpu.memref_squeeze %dma_wait3A_674 : memref<1x128xi32, #tpu.memory_space<vmem>> -> memref<128xi32, #tpu.memory_space<vmem>>
      %dma_wait3A_676 = arith.constant 0 : i32
      %dma_wait3A_677 = arith.constant 0 : i32
      %dma_wait3A_678 = tpu.memref_slice %arg2[%dma_wait3A_676, %dma_wait3A_677] : memref<100000x128xf32, #tpu.memory_space<hbm>> -> memref<100000x128xf32, #tpu.memory_space<hbm>>
      %dma_wait3A_679 = tpu.memref_slice %arg7[%dma_wait3A_668] : memref<5x!tpu.dma_semaphore, #tpu.memory_space<semaphore_mem>> -> memref<1x!tpu.dma_semaphore, #tpu.memory_space<semaphore_mem>>
      %dma_wait3A_680 = tpu.memref_squeeze %dma_wait3A_679 : memref<1x!tpu.dma_semaphore, #tpu.memory_space<semaphore_mem>> -> memref<!tpu.dma_semaphore, #tpu.memory_space<semaphore_mem>>
      tpu.wait_indirect_dma semaphore(%dma_wait3A_680 : memref<!tpu.dma_semaphore, #tpu.memory_space<semaphore_mem>>) src(%dma_wait3A_678 : memref<100000x128xf32, #tpu.memory_space<hbm>>) dst(%dma_wait3A_672 : memref<128x128xf32, #tpu.memory_space<vmem>>)
      %mul3A_681 = arith.constant 128 : i32
      %mul3A_682 = arith.muli %sub3A_666, %mul3A_681 : i32
      %add3A_683 = arith.addi %mul3A_2, %mul3A_682 : i32
      %dma_start3A_684 = arith.constant 2 : i32
      %dma_start3A_685 = arith.constant 2 : i32
      %dma_start3A_686 = arith.constant 0 : i32
      %dma_start3A_687 = arith.constant 0 : i32
      %dma_start3A_688 = tpu.memref_slice %arg6[%dma_start3A_684, %dma_start3A_686, %dma_start3A_687] : memref<5x128x128xf32, #tpu.memory_space<vmem>> -> memref<1x128x128xf32, #tpu.memory_space<vmem>>
      %dma_start3A_689 = tpu.memref_squeeze %dma_start3A_688 : memref<1x128x128xf32, #tpu.memory_space<vmem>> -> memref<128x128xf32, #tpu.memory_space<vmem>>
      %dma_start3A_690 = arith.constant 0 : i32
      %dma_start3A_691 = tpu.memref_slice %arg4[%add3A_683, %dma_start3A_690] : memref<819200x128xf32, #tpu.memory_space<hbm>> -> memref<128x128xf32, #tpu.memory_space<hbm>>
      %dma_start3A_692 = tpu.memref_slice %arg8[%dma_start3A_685] : memref<5x!tpu.dma_semaphore, #tpu.memory_space<semaphore_mem>> -> memref<1x!tpu.dma_semaphore, #tpu.memory_space<semaphore_mem>>
      %dma_start3A_693 = tpu.memref_squeeze %dma_start3A_692 : memref<1x!tpu.dma_semaphore, #tpu.memory_space<semaphore_mem>> -> memref<!tpu.dma_semaphore, #tpu.memory_space<semaphore_mem>>
      %dma_start3A_694 = arith.constant 0 : i32
      %dma_start3A_695 = tpu.memref_slice %arg4[%add3A_683, %dma_start3A_694] : memref<819200x128xf32, #tpu.memory_space<hbm>> -> memref<128x128xf32, #tpu.memory_space<hbm>>
      %dma_start3A_696 = arith.constant 0 : i32
      %dma_start3A_697 = arith.constant 0 : i32
      %dma_start3A_698 = tpu.memref_slice %arg6[%dma_start3A_684, %dma_start3A_696, %dma_start3A_697] : memref<5x128x128xf32, #tpu.memory_space<vmem>> -> memref<1x128x128xf32, #tpu.memory_space<vmem>>
      %dma_start3A_699 = tpu.memref_squeeze %dma_start3A_698 : memref<1x128x128xf32, #tpu.memory_space<vmem>> -> memref<128x128xf32, #tpu.memory_space<vmem>>
      tpu.enqueue_dma source(%dma_start3A_699 : memref<128x128xf32, #tpu.memory_space<vmem>>) target(%dma_start3A_695 : memref<128x128xf32, #tpu.memory_space<hbm>>) target_semaphore(%dma_start3A_693 : memref<!tpu.dma_semaphore, #tpu.memory_space<semaphore_mem>>)
      %scan3A_700 = arith.constant 0 : i32
      scf.yield %scan3A_700 : i32
    }
    %scan3A_180 = arith.constant 39 : i32
    %dma_wait3A_181 = arith.constant 198 : i32
    %dma_wait3A_182 = arith.constant 3 : i32
    %dma_wait3A_183 = arith.constant 3 : i32
    %dma_wait3A_184 = arith.constant 0 : i32
    %dma_wait3A_185 = arith.constant 0 : i32
    %dma_wait3A_186 = tpu.memref_slice %arg6[%dma_wait3A_182, %dma_wait3A_184, %dma_wait3A_185] : memref<5x128x128xf32, #tpu.memory_space<vmem>> -> memref<1x128x128xf32, #tpu.memory_space<vmem>>
    %dma_wait3A_187 = tpu.memref_squeeze %dma_wait3A_186 : memref<1x128x128xf32, #tpu.memory_space<vmem>> -> memref<128x128xf32, #tpu.memory_space<vmem>>
    %dma_wait3A_188 = arith.constant 0 : i32
    %dma_wait3A_189 = tpu.memref_slice %arg5[%dma_wait3A_181, %dma_wait3A_188] : memref<200x128xi32, #tpu.memory_space<vmem>> -> memref<1x128xi32, #tpu.memory_space<vmem>>
    %dma_wait3A_190 = tpu.memref_squeeze %dma_wait3A_189 : memref<1x128xi32, #tpu.memory_space<vmem>> -> memref<128xi32, #tpu.memory_space<vmem>>
    %dma_wait3A_191 = arith.constant 0 : i32
    %dma_wait3A_192 = arith.constant 0 : i32
    %dma_wait3A_193 = tpu.memref_slice %arg2[%dma_wait3A_191, %dma_wait3A_192] : memref<100000x128xf32, #tpu.memory_space<hbm>> -> memref<100000x128xf32, #tpu.memory_space<hbm>>
    %dma_wait3A_194 = tpu.memref_slice %arg7[%dma_wait3A_183] : memref<5x!tpu.dma_semaphore, #tpu.memory_space<semaphore_mem>> -> memref<1x!tpu.dma_semaphore, #tpu.memory_space<semaphore_mem>>
    %dma_wait3A_195 = tpu.memref_squeeze %dma_wait3A_194 : memref<1x!tpu.dma_semaphore, #tpu.memory_space<semaphore_mem>> -> memref<!tpu.dma_semaphore, #tpu.memory_space<semaphore_mem>>
    tpu.wait_indirect_dma semaphore(%dma_wait3A_195 : memref<!tpu.dma_semaphore, #tpu.memory_space<semaphore_mem>>) src(%dma_wait3A_193 : memref<100000x128xf32, #tpu.memory_space<hbm>>) dst(%dma_wait3A_187 : memref<128x128xf32, #tpu.memory_space<vmem>>)
    %add3A_196 = arith.constant 25344 : i32
    %add3A_197 = arith.addi %mul3A_2, %add3A_196 : i32
    %dma_start3A_198 = arith.constant 3 : i32
    %dma_start3A_199 = arith.constant 3 : i32
    %dma_start3A_200 = arith.constant 0 : i32
    %dma_start3A_201 = arith.constant 0 : i32
    %dma_start3A_202 = tpu.memref_slice %arg6[%dma_start3A_198, %dma_start3A_200, %dma_start3A_201] : memref<5x128x128xf32, #tpu.memory_space<vmem>> -> memref<1x128x128xf32, #tpu.memory_space<vmem>>
    %dma_start3A_203 = tpu.memref_squeeze %dma_start3A_202 : memref<1x128x128xf32, #tpu.memory_space<vmem>> -> memref<128x128xf32, #tpu.memory_space<vmem>>
    %dma_start3A_204 = arith.constant 0 : i32
    %dma_start3A_205 = tpu.memref_slice %arg4[%add3A_197, %dma_start3A_204] : memref<819200x128xf32, #tpu.memory_space<hbm>> -> memref<128x128xf32, #tpu.memory_space<hbm>>
    %dma_start3A_206 = tpu.memref_slice %arg8[%dma_start3A_199] : memref<5x!tpu.dma_semaphore, #tpu.memory_space<semaphore_mem>> -> memref<1x!tpu.dma_semaphore, #tpu.memory_space<semaphore_mem>>
    %dma_start3A_207 = tpu.memref_squeeze %dma_start3A_206 : memref<1x!tpu.dma_semaphore, #tpu.memory_space<semaphore_mem>> -> memref<!tpu.dma_semaphore, #tpu.memory_space<semaphore_mem>>
    %dma_start3A_208 = arith.constant 0 : i32
    %dma_start3A_209 = tpu.memref_slice %arg4[%add3A_197, %dma_start3A_208] : memref<819200x128xf32, #tpu.memory_space<hbm>> -> memref<128x128xf32, #tpu.memory_space<hbm>>
    %dma_start3A_210 = arith.constant 0 : i32
    %dma_start3A_211 = arith.constant 0 : i32
    %dma_start3A_212 = tpu.memref_slice %arg6[%dma_start3A_198, %dma_start3A_210, %dma_start3A_211] : memref<5x128x128xf32, #tpu.memory_space<vmem>> -> memref<1x128x128xf32, #tpu.memory_space<vmem>>
    %dma_start3A_213 = tpu.memref_squeeze %dma_start3A_212 : memref<1x128x128xf32, #tpu.memory_space<vmem>> -> memref<128x128xf32, #tpu.memory_space<vmem>>
    tpu.enqueue_dma source(%dma_start3A_213 : memref<128x128xf32, #tpu.memory_space<vmem>>) target(%dma_start3A_209 : memref<128x128xf32, #tpu.memory_space<hbm>>) target_semaphore(%dma_start3A_207 : memref<!tpu.dma_semaphore, #tpu.memory_space<semaphore_mem>>)
    %dma_wait3A_214 = arith.constant 199 : i32
    %dma_wait3A_215 = arith.constant 4 : i32
    %dma_wait3A_216 = arith.constant 4 : i32
    %dma_wait3A_217 = arith.constant 0 : i32
    %dma_wait3A_218 = arith.constant 0 : i32
    %dma_wait3A_219 = tpu.memref_slice %arg6[%dma_wait3A_215, %dma_wait3A_217, %dma_wait3A_218] : memref<5x128x128xf32, #tpu.memory_space<vmem>> -> memref<1x128x128xf32, #tpu.memory_space<vmem>>
    %dma_wait3A_220 = tpu.memref_squeeze %dma_wait3A_219 : memref<1x128x128xf32, #tpu.memory_space<vmem>> -> memref<128x128xf32, #tpu.memory_space<vmem>>
    %dma_wait3A_221 = arith.constant 0 : i32
    %dma_wait3A_222 = tpu.memref_slice %arg5[%dma_wait3A_214, %dma_wait3A_221] : memref<200x128xi32, #tpu.memory_space<vmem>> -> memref<1x128xi32, #tpu.memory_space<vmem>>
    %dma_wait3A_223 = tpu.memref_squeeze %dma_wait3A_222 : memref<1x128xi32, #tpu.memory_space<vmem>> -> memref<128xi32, #tpu.memory_space<vmem>>
    %dma_wait3A_224 = arith.constant 0 : i32
    %dma_wait3A_225 = arith.constant 0 : i32
    %dma_wait3A_226 = tpu.memref_slice %arg2[%dma_wait3A_224, %dma_wait3A_225] : memref<100000x128xf32, #tpu.memory_space<hbm>> -> memref<100000x128xf32, #tpu.memory_space<hbm>>
    %dma_wait3A_227 = tpu.memref_slice %arg7[%dma_wait3A_216] : memref<5x!tpu.dma_semaphore, #tpu.memory_space<semaphore_mem>> -> memref<1x!tpu.dma_semaphore, #tpu.memory_space<semaphore_mem>>
    %dma_wait3A_228 = tpu.memref_squeeze %dma_wait3A_227 : memref<1x!tpu.dma_semaphore, #tpu.memory_space<semaphore_mem>> -> memref<!tpu.dma_semaphore, #tpu.memory_space<semaphore_mem>>
    tpu.wait_indirect_dma semaphore(%dma_wait3A_228 : memref<!tpu.dma_semaphore, #tpu.memory_space<semaphore_mem>>) src(%dma_wait3A_226 : memref<100000x128xf32, #tpu.memory_space<hbm>>) dst(%dma_wait3A_220 : memref<128x128xf32, #tpu.memory_space<vmem>>)
    %add3A_229 = arith.constant 25472 : i32
    %add3A_230 = arith.addi %mul3A_2, %add3A_229 : i32
    %dma_start3A_231 = arith.constant 4 : i32
    %dma_start3A_232 = arith.constant 4 : i32
    %dma_start3A_233 = arith.constant 0 : i32
    %dma_start3A_234 = arith.constant 0 : i32
    %dma_start3A_235 = tpu.memref_slice %arg6[%dma_start3A_231, %dma_start3A_233, %dma_start3A_234] : memref<5x128x128xf32, #tpu.memory_space<vmem>> -> memref<1x128x128xf32, #tpu.memory_space<vmem>>
    %dma_start3A_236 = tpu.memref_squeeze %dma_start3A_235 : memref<1x128x128xf32, #tpu.memory_space<vmem>> -> memref<128x128xf32, #tpu.memory_space<vmem>>
    %dma_start3A_237 = arith.constant 0 : i32
    %dma_start3A_238 = tpu.memref_slice %arg4[%add3A_230, %dma_start3A_237] : memref<819200x128xf32, #tpu.memory_space<hbm>> -> memref<128x128xf32, #tpu.memory_space<hbm>>
    %dma_start3A_239 = tpu.memref_slice %arg8[%dma_start3A_232] : memref<5x!tpu.dma_semaphore, #tpu.memory_space<semaphore_mem>> -> memref<1x!tpu.dma_semaphore, #tpu.memory_space<semaphore_mem>>
    %dma_start3A_240 = tpu.memref_squeeze %dma_start3A_239 : memref<1x!tpu.dma_semaphore, #tpu.memory_space<semaphore_mem>> -> memref<!tpu.dma_semaphore, #tpu.memory_space<semaphore_mem>>
    %dma_start3A_241 = arith.constant 0 : i32
    %dma_start3A_242 = tpu.memref_slice %arg4[%add3A_230, %dma_start3A_241] : memref<819200x128xf32, #tpu.memory_space<hbm>> -> memref<128x128xf32, #tpu.memory_space<hbm>>
    %dma_start3A_243 = arith.constant 0 : i32
    %dma_start3A_244 = arith.constant 0 : i32
    %dma_start3A_245 = tpu.memref_slice %arg6[%dma_start3A_231, %dma_start3A_243, %dma_start3A_244] : memref<5x128x128xf32, #tpu.memory_space<vmem>> -> memref<1x128x128xf32, #tpu.memory_space<vmem>>
    %dma_start3A_246 = tpu.memref_squeeze %dma_start3A_245 : memref<1x128x128xf32, #tpu.memory_space<vmem>> -> memref<128x128xf32, #tpu.memory_space<vmem>>
    tpu.enqueue_dma source(%dma_start3A_246 : memref<128x128xf32, #tpu.memory_space<vmem>>) target(%dma_start3A_242 : memref<128x128xf32, #tpu.memory_space<hbm>>) target_semaphore(%dma_start3A_240 : memref<!tpu.dma_semaphore, #tpu.memory_space<semaphore_mem>>)
    %add3A_247 = arith.constant 24960 : i32
    %add3A_248 = arith.addi %mul3A_2, %add3A_247 : i32
    %dma_wait3A_249 = arith.constant 0 : i32
    %dma_wait3A_250 = arith.constant 0 : i32
    %dma_wait3A_251 = arith.constant 0 : i32
    %dma_wait3A_252 = arith.constant 0 : i32
    %dma_wait3A_253 = tpu.memref_slice %arg6[%dma_wait3A_249, %dma_wait3A_251, %dma_wait3A_252] : memref<5x128x128xf32, #tpu.memory_space<vmem>> -> memref<1x128x128xf32, #tpu.memory_space<vmem>>
    %dma_wait3A_254 = tpu.memref_squeeze %dma_wait3A_253 : memref<1x128x128xf32, #tpu.memory_space<vmem>> -> memref<128x128xf32, #tpu.memory_space<vmem>>
    %dma_wait3A_255 = arith.constant 0 : i32
    %dma_wait3A_256 = tpu.memref_slice %arg4[%add3A_248, %dma_wait3A_255] : memref<819200x128xf32, #tpu.memory_space<hbm>> -> memref<128x128xf32, #tpu.memory_space<hbm>>
    %dma_wait3A_257 = tpu.memref_slice %arg8[%dma_wait3A_250] : memref<5x!tpu.dma_semaphore, #tpu.memory_space<semaphore_mem>> -> memref<1x!tpu.dma_semaphore, #tpu.memory_space<semaphore_mem>>
    %dma_wait3A_258 = tpu.memref_squeeze %dma_wait3A_257 : memref<1x!tpu.dma_semaphore, #tpu.memory_space<semaphore_mem>> -> memref<!tpu.dma_semaphore, #tpu.memory_space<semaphore_mem>>
    %dma_wait3A_259 = arith.constant 0 : i32
    %dma_wait3A_260 = tpu.memref_slice %arg4[%add3A_248, %dma_wait3A_259] : memref<819200x128xf32, #tpu.memory_space<hbm>> -> memref<128x128xf32, #tpu.memory_space<hbm>>
    %dma_wait3A_261 = arith.constant 0 : i32
    %dma_wait3A_262 = arith.constant 0 : i32
    %dma_wait3A_263 = tpu.memref_slice %arg6[%dma_wait3A_249, %dma_wait3A_261, %dma_wait3A_262] : memref<5x128x128xf32, #tpu.memory_space<vmem>> -> memref<1x128x128xf32, #tpu.memory_space<vmem>>
    %dma_wait3A_264 = tpu.memref_squeeze %dma_wait3A_263 : memref<1x128x128xf32, #tpu.memory_space<vmem>> -> memref<128x128xf32, #tpu.memory_space<vmem>>
    tpu.wait_dma2 semaphore(%dma_wait3A_258 : memref<!tpu.dma_semaphore, #tpu.memory_space<semaphore_mem>>) src(%dma_wait3A_264 : memref<128x128xf32, #tpu.memory_space<vmem>>) dst(%dma_wait3A_260 : memref<128x128xf32, #tpu.memory_space<hbm>>)
    %add3A_265 = arith.constant 25088 : i32
    %add3A_266 = arith.addi %mul3A_2, %add3A_265 : i32
    %dma_wait3A_267 = arith.constant 1 : i32
    %dma_wait3A_268 = arith.constant 1 : i32
    %dma_wait3A_269 = arith.constant 0 : i32
    %dma_wait3A_270 = arith.constant 0 : i32
    %dma_wait3A_271 = tpu.memref_slice %arg6[%dma_wait3A_267, %dma_wait3A_269, %dma_wait3A_270] : memref<5x128x128xf32, #tpu.memory_space<vmem>> -> memref<1x128x128xf32, #tpu.memory_space<vmem>>
    %dma_wait3A_272 = tpu.memref_squeeze %dma_wait3A_271 : memref<1x128x128xf32, #tpu.memory_space<vmem>> -> memref<128x128xf32, #tpu.memory_space<vmem>>
    %dma_wait3A_273 = arith.constant 0 : i32
    %dma_wait3A_274 = tpu.memref_slice %arg4[%add3A_266, %dma_wait3A_273] : memref<819200x128xf32, #tpu.memory_space<hbm>> -> memref<128x128xf32, #tpu.memory_space<hbm>>
    %dma_wait3A_275 = tpu.memref_slice %arg8[%dma_wait3A_268] : memref<5x!tpu.dma_semaphore, #tpu.memory_space<semaphore_mem>> -> memref<1x!tpu.dma_semaphore, #tpu.memory_space<semaphore_mem>>
    %dma_wait3A_276 = tpu.memref_squeeze %dma_wait3A_275 : memref<1x!tpu.dma_semaphore, #tpu.memory_space<semaphore_mem>> -> memref<!tpu.dma_semaphore, #tpu.memory_space<semaphore_mem>>
    %dma_wait3A_277 = arith.constant 0 : i32
    %dma_wait3A_278 = tpu.memref_slice %arg4[%add3A_266, %dma_wait3A_277] : memref<819200x128xf32, #tpu.memory_space<hbm>> -> memref<128x128xf32, #tpu.memory_space<hbm>>
    %dma_wait3A_279 = arith.constant 0 : i32
    %dma_wait3A_280 = arith.constant 0 : i32
    %dma_wait3A_281 = tpu.memref_slice %arg6[%dma_wait3A_267, %dma_wait3A_279, %dma_wait3A_280] : memref<5x128x128xf32, #tpu.memory_space<vmem>> -> memref<1x128x128xf32, #tpu.memory_space<vmem>>
    %dma_wait3A_282 = tpu.memref_squeeze %dma_wait3A_281 : memref<1x128x128xf32, #tpu.memory_space<vmem>> -> memref<128x128xf32, #tpu.memory_space<vmem>>
    tpu.wait_dma2 semaphore(%dma_wait3A_276 : memref<!tpu.dma_semaphore, #tpu.memory_space<semaphore_mem>>) src(%dma_wait3A_282 : memref<128x128xf32, #tpu.memory_space<vmem>>) dst(%dma_wait3A_278 : memref<128x128xf32, #tpu.memory_space<hbm>>)
    %add3A_283 = arith.constant 25216 : i32
    %add3A_284 = arith.addi %mul3A_2, %add3A_283 : i32
    %dma_wait3A_285 = arith.constant 2 : i32
    %dma_wait3A_286 = arith.constant 2 : i32
    %dma_wait3A_287 = arith.constant 0 : i32
    %dma_wait3A_288 = arith.constant 0 : i32
    %dma_wait3A_289 = tpu.memref_slice %arg6[%dma_wait3A_285, %dma_wait3A_287, %dma_wait3A_288] : memref<5x128x128xf32, #tpu.memory_space<vmem>> -> memref<1x128x128xf32, #tpu.memory_space<vmem>>
    %dma_wait3A_290 = tpu.memref_squeeze %dma_wait3A_289 : memref<1x128x128xf32, #tpu.memory_space<vmem>> -> memref<128x128xf32, #tpu.memory_space<vmem>>
    %dma_wait3A_291 = arith.constant 0 : i32
    %dma_wait3A_292 = tpu.memref_slice %arg4[%add3A_284, %dma_wait3A_291] : memref<819200x128xf32, #tpu.memory_space<hbm>> -> memref<128x128xf32, #tpu.memory_space<hbm>>
    %dma_wait3A_293 = tpu.memref_slice %arg8[%dma_wait3A_286] : memref<5x!tpu.dma_semaphore, #tpu.memory_space<semaphore_mem>> -> memref<1x!tpu.dma_semaphore, #tpu.memory_space<semaphore_mem>>
    %dma_wait3A_294 = tpu.memref_squeeze %dma_wait3A_293 : memref<1x!tpu.dma_semaphore, #tpu.memory_space<semaphore_mem>> -> memref<!tpu.dma_semaphore, #tpu.memory_space<semaphore_mem>>
    %dma_wait3A_295 = arith.constant 0 : i32
    %dma_wait3A_296 = tpu.memref_slice %arg4[%add3A_284, %dma_wait3A_295] : memref<819200x128xf32, #tpu.memory_space<hbm>> -> memref<128x128xf32, #tpu.memory_space<hbm>>
    %dma_wait3A_297 = arith.constant 0 : i32
    %dma_wait3A_298 = arith.constant 0 : i32
    %dma_wait3A_299 = tpu.memref_slice %arg6[%dma_wait3A_285, %dma_wait3A_297, %dma_wait3A_298] : memref<5x128x128xf32, #tpu.memory_space<vmem>> -> memref<1x128x128xf32, #tpu.memory_space<vmem>>
    %dma_wait3A_300 = tpu.memref_squeeze %dma_wait3A_299 : memref<1x128x128xf32, #tpu.memory_space<vmem>> -> memref<128x128xf32, #tpu.memory_space<vmem>>
    tpu.wait_dma2 semaphore(%dma_wait3A_294 : memref<!tpu.dma_semaphore, #tpu.memory_space<semaphore_mem>>) src(%dma_wait3A_300 : memref<128x128xf32, #tpu.memory_space<vmem>>) dst(%dma_wait3A_296 : memref<128x128xf32, #tpu.memory_space<hbm>>)
    %add3A_301 = arith.constant 25344 : i32
    %add3A_302 = arith.addi %mul3A_2, %add3A_301 : i32
    %dma_wait3A_303 = arith.constant 3 : i32
    %dma_wait3A_304 = arith.constant 3 : i32
    %dma_wait3A_305 = arith.constant 0 : i32
    %dma_wait3A_306 = arith.constant 0 : i32
    %dma_wait3A_307 = tpu.memref_slice %arg6[%dma_wait3A_303, %dma_wait3A_305, %dma_wait3A_306] : memref<5x128x128xf32, #tpu.memory_space<vmem>> -> memref<1x128x128xf32, #tpu.memory_space<vmem>>
    %dma_wait3A_308 = tpu.memref_squeeze %dma_wait3A_307 : memref<1x128x128xf32, #tpu.memory_space<vmem>> -> memref<128x128xf32, #tpu.memory_space<vmem>>
    %dma_wait3A_309 = arith.constant 0 : i32
    %dma_wait3A_310 = tpu.memref_slice %arg4[%add3A_302, %dma_wait3A_309] : memref<819200x128xf32, #tpu.memory_space<hbm>> -> memref<128x128xf32, #tpu.memory_space<hbm>>
    %dma_wait3A_311 = tpu.memref_slice %arg8[%dma_wait3A_304] : memref<5x!tpu.dma_semaphore, #tpu.memory_space<semaphore_mem>> -> memref<1x!tpu.dma_semaphore, #tpu.memory_space<semaphore_mem>>
    %dma_wait3A_312 = tpu.memref_squeeze %dma_wait3A_311 : memref<1x!tpu.dma_semaphore, #tpu.memory_space<semaphore_mem>> -> memref<!tpu.dma_semaphore, #tpu.memory_space<semaphore_mem>>
    %dma_wait3A_313 = arith.constant 0 : i32
    %dma_wait3A_314 = tpu.memref_slice %arg4[%add3A_302, %dma_wait3A_313] : memref<819200x128xf32, #tpu.memory_space<hbm>> -> memref<128x128xf32, #tpu.memory_space<hbm>>
    %dma_wait3A_315 = arith.constant 0 : i32
    %dma_wait3A_316 = arith.constant 0 : i32
    %dma_wait3A_317 = tpu.memref_slice %arg6[%dma_wait3A_303, %dma_wait3A_315, %dma_wait3A_316] : memref<5x128x128xf32, #tpu.memory_space<vmem>> -> memref<1x128x128xf32, #tpu.memory_space<vmem>>
    %dma_wait3A_318 = tpu.memref_squeeze %dma_wait3A_317 : memref<1x128x128xf32, #tpu.memory_space<vmem>> -> memref<128x128xf32, #tpu.memory_space<vmem>>
    tpu.wait_dma2 semaphore(%dma_wait3A_312 : memref<!tpu.dma_semaphore, #tpu.memory_space<semaphore_mem>>) src(%dma_wait3A_318 : memref<128x128xf32, #tpu.memory_space<vmem>>) dst(%dma_wait3A_314 : memref<128x128xf32, #tpu.memory_space<hbm>>)
    %add3A_319 = arith.constant 25472 : i32
    %add3A_320 = arith.addi %mul3A_2, %add3A_319 : i32
    %dma_wait3A_321 = arith.constant 4 : i32
    %dma_wait3A_322 = arith.constant 4 : i32
    %dma_wait3A_323 = arith.constant 0 : i32
    %dma_wait3A_324 = arith.constant 0 : i32
    %dma_wait3A_325 = tpu.memref_slice %arg6[%dma_wait3A_321, %dma_wait3A_323, %dma_wait3A_324] : memref<5x128x128xf32, #tpu.memory_space<vmem>> -> memref<1x128x128xf32, #tpu.memory_space<vmem>>
    %dma_wait3A_326 = tpu.memref_squeeze %dma_wait3A_325 : memref<1x128x128xf32, #tpu.memory_space<vmem>> -> memref<128x128xf32, #tpu.memory_space<vmem>>
    %dma_wait3A_327 = arith.constant 0 : i32
    %dma_wait3A_328 = tpu.memref_slice %arg4[%add3A_320, %dma_wait3A_327] : memref<819200x128xf32, #tpu.memory_space<hbm>> -> memref<128x128xf32, #tpu.memory_space<hbm>>
    %dma_wait3A_329 = tpu.memref_slice %arg8[%dma_wait3A_322] : memref<5x!tpu.dma_semaphore, #tpu.memory_space<semaphore_mem>> -> memref<1x!tpu.dma_semaphore, #tpu.memory_space<semaphore_mem>>
    %dma_wait3A_330 = tpu.memref_squeeze %dma_wait3A_329 : memref<1x!tpu.dma_semaphore, #tpu.memory_space<semaphore_mem>> -> memref<!tpu.dma_semaphore, #tpu.memory_space<semaphore_mem>>
    %dma_wait3A_331 = arith.constant 0 : i32
    %dma_wait3A_332 = tpu.memref_slice %arg4[%add3A_320, %dma_wait3A_331] : memref<819200x128xf32, #tpu.memory_space<hbm>> -> memref<128x128xf32, #tpu.memory_space<hbm>>
    %dma_wait3A_333 = arith.constant 0 : i32
    %dma_wait3A_334 = arith.constant 0 : i32
    %dma_wait3A_335 = tpu.memref_slice %arg6[%dma_wait3A_321, %dma_wait3A_333, %dma_wait3A_334] : memref<5x128x128xf32, #tpu.memory_space<vmem>> -> memref<1x128x128xf32, #tpu.memory_space<vmem>>
    %dma_wait3A_336 = tpu.memref_squeeze %dma_wait3A_335 : memref<1x128x128xf32, #tpu.memory_space<vmem>> -> memref<128x128xf32, #tpu.memory_space<vmem>>
    tpu.wait_dma2 semaphore(%dma_wait3A_330 : memref<!tpu.dma_semaphore, #tpu.memory_space<semaphore_mem>>) src(%dma_wait3A_336 : memref<128x128xf32, #tpu.memory_space<vmem>>) dst(%dma_wait3A_332 : memref<128x128xf32, #tpu.memory_space<hbm>>)
    return
  }
}

</mosaic_0001>

<sc_bundles>
// kernel: kernel.3.cloned.1.call-start
scs
__scs_entry_jumppad:
0x0: {  	(pc) =	sbr.rel $0x88, $3  }
0x1: {  	(tag) =	ssettag $0x0;
	lr =	simm.s32 $0x1  }
0x2: {  	[smem:$0x3F9F] =	sst lr;
	_ =	strace $0xD0000000  }
0x3: {  	_ = 	snop  }
0x4: {  	_ = 	snop  }
0x5: {  	_ = 	snop  }
0x6: {  	_ = 	snop  }
0x7: {  	_ = 	snop  }
__scs_overlays_trampoline_lowered:
0x8: {  	[smem:$0x3FAE] =	sst s0  }
0x9: {  	[smem:$0x3FAF] =	sst s1  }
0xa: {  	[smem:$0x3FB0] =	sst s2  }
0xb: {  	[smem:$0x3FB1] =	sst s3  }
0xc: {  	[smem:$0x3FB2] =	sst s4  }
0xd: {  	[smem:$0x3FB3] =	sst s5  }
0xe: {  	[smem:$0x3FB4] =	sst s6  }
0xf: {  	[smem:$0x3FB5] =	sst s7  }
0x10: {  	[smem:$0x3FB6] =	sst s8  }
0x11: {  	[smem:$0x3FB7] =	sst s9;
	s0 =	simm.s32 @!p0 $0x0  }
0x12: {  	s1 =	sld [smem:$0x3F9D];
	s0 =	simm.s32 @p0 $0x1  }
0x13: {  	[smem:$0x3FB8] =	sst s0;
	s0 =	simm.s32 @!p1 $0x0  }
0x14: {  	s2 =	sld [smem:$0x3F9C];
	s0 =	simm.s32 @p1 $0x1  }
0x15: {  	[smem:$0x3FB9] =	sst s0;
	s0 =	simm.s32 @!p2 $0x0  }
0x16: {  	s3 =	sld [smem:$0x3FDB];
	s0 =	simm.s32 @p2 $0x1  }
0x17: {  	s4 =	simm.s32 $0x1BF5;
	[smem:$0x3FBB] =	sst s0  }
0x18: {  	s0 =	sld [smem:$0x3F9E];
	_ =	swait.ge [sflag:s4], $0x0  }
0x19: {  	s7 =	sld [smem:$0x3F9F]  }
0x1a: {  	s8 =	sadd.s32 $0xFFFFE003, lr  }
0x1b: {  	s9 =	sadd.s32 $0xFFFFFEF7, lr;
	s5 =	simm.s32 $0xFFFFFFFF;
	p2 =	slt.u32 s8, $0xFFFFF086  }
0x1c: {  	p1 =	slt.u32 s9, $0xF7A;
	s5 =	simm.s32 @!p2 $0x0  }
0x1d: {  	s5 =	simm.s32 @p1 $0x1;
	p0 =	seq.s32 s7, s2  }
0x1e: {  	s7 =	smul.u32 @!p0 $0xF7A, s2;
	p2 =	seq.s32 @!p0 s5, $0x0  }
0x1f: {  	s9 =	smul.u32 $0xF7A, s1;
	s8 =	simm.s32 @!p0 $0x1BF5;
	p2 =	por !p2, p0  }
0x20: {  	[sflag:s8] =	ssyncset.s32 @!p0 $0xFFFFF086;
	s6 =	sadd.s32 @!p0 s3, s7;
	s7 =	simm.s32 @!p0 $0x108  }
0x21: {  	s3 =	sadd.s32 s3, s9;
	s6 =	sadd.s32 @!p0 $0x88, s6;
	s7 =	simm.s32 @p2 $0x1082  }
0x22: {  	[simem:s7], [sflag:s8] =	dma.local @!p0 [hbm:s6], $0xF7A  }
0x23: {  	s9 =	sor.u32 $0xD0000000, s2;
	s6 =	simm.s32 $0x108;
	_ =	swait.ge @!p0 [sflag:s8], $0x0  }
0x24: {  	s3 =	sadd.s32 $0x88, s3;
	s6 =	simm.s32 @!p1 $0x1082;
	[sflag:s4] =	ssyncset.s32 $0xFFFFF086  }
0x25: {  	[simem:s6], [sflag:s4] =	dma.local [hbm:s3], $0xF7A  }
0x26: {  	[smem:$0x3F9F] =	sst s1;
	(tag) =	ssettag s2;
	_ =	strace s9  }
0x27: {  	s1 =	sld [smem:$0x3FAF]  }
0x28: {  	s2 =	sld [smem:$0x3FB0]  }
0x29: {  	s4 =	sld [smem:$0x3FB2]  }
0x2a: {  	p0 =	seq.s32 s5, $0x0;
	s5 =	sld [smem:$0x3FB3]  }
0x2b: {  	s6 =	sld [smem:$0x3FB4]  }
0x2c: {  	s7 =	sld [smem:$0x3FB5]  }
0x2d: {  	s3 =	simm.s32 $0x108;
	s8 =	sld [smem:$0x3FB6]  }
0x2e: {  	s3 =	simm.s32 @!p0 $0x1082;
	s9 =	sld [smem:$0x3FB7]  }
0x2f: {  	lr =	sadd.s32 s0, s3;
	s0 =	sld [smem:$0x3FAE]  }
0x30: {  	s3 =	sld [smem:$0x3FB1]  }
0x31: {  	[smem:$0x3FBA] =	sst s10  }
0x32: {  	s10 =	sld [smem:$0x3FB8];
	_ =	sdelay $0x3  }
0x33: {  	p0 =	seq.s32 s10, $0x1;
	s10 =	sld [smem:$0x3FBA];
	_ =	sdelay $0x3  }
0x34: {  	[smem:$0x3FBA] =	sst s10  }
0x35: {  	s10 =	sld [smem:$0x3FB9];
	_ =	sdelay $0x3  }
0x36: {  	p1 =	seq.s32 s10, $0x1;
	s10 =	sld [smem:$0x3FBA];
	_ =	sdelay $0x3  }
0x37: {  	[smem:$0x3FBA] =	sst s10  }
0x38: {  	s10 =	sld [smem:$0x3FBB]  }
0x39: {  	_ = 	snop;
	(pc) =	sbr.ind lr, $3  }
0x3a: {  	_ = 	snop  }
0x3b: {  	_ = 	snop  }
0x3c: {  	p2 =	seq.s32 s10, $0x1;
	s10 =	sld [smem:$0x3FBA]  }
0x3d: {  	_ =	shalt  }
0x3e: {  	_ =	shalt  }
0x3f: {  	_ =	shalt  }
0x40: {  	_ =	shalt  }
0x41: {  	_ =	shalt  }
0x42: {  	_ =	shalt  }
0x43: {  	_ =	shalt  }
0x44: {  	_ =	shalt  }
0x45: {  	_ =	shalt  }
0x46: {  	_ =	shalt  }
0x47: {  	_ =	shalt  }
0x48: {  	_ =	shalt  }
0x49: {  	_ =	shalt  }
0x4a: {  	_ =	shalt  }
0x4b: {  	_ =	shalt  }
0x4c: {  	_ =	shalt  }
0x4d: {  	_ =	shalt  }
0x4e: {  	_ =	shalt  }
0x4f: {  	_ =	shalt  }
0x50: {  	_ =	shalt  }
0x51: {  	_ =	shalt  }
0x52: {  	_ =	shalt  }
0x53: {  	_ =	shalt  }
0x54: {  	_ =	shalt  }
0x55: {  	_ =	shalt  }
0x56: {  	_ =	shalt  }
0x57: {  	_ =	shalt  }
0x58: {  	_ =	shalt  }
0x59: {  	_ =	shalt  }
0x5a: {  	_ =	shalt  }
0x5b: {  	_ =	shalt  }
0x5c: {  	_ =	shalt  }
0x5d: {  	_ =	shalt  }
0x5e: {  	_ =	shalt  }
0x5f: {  	_ =	shalt  }
0x60: {  	_ =	shalt  }
0x61: {  	_ =	shalt  }
0x62: {  	_ =	shalt  }
0x63: {  	_ =	shalt  }
0x64: {  	_ =	shalt  }
0x65: {  	_ =	shalt  }
0x66: {  	_ =	shalt  }
0x67: {  	_ =	shalt  }
0x68: {  	_ =	shalt  }
0x69: {  	_ =	shalt  }
0x6a: {  	_ =	shalt  }
0x6b: {  	_ =	shalt  }
0x6c: {  	_ =	shalt  }
0x6d: {  	_ =	shalt  }
0x6e: {  	_ =	shalt  }
0x6f: {  	_ =	shalt  }
0x70: {  	_ =	shalt  }
0x71: {  	_ =	shalt  }
0x72: {  	_ =	shalt  }
0x73: {  	_ =	shalt  }
0x74: {  	_ =	shalt  }
0x75: {  	_ =	shalt  }
0x76: {  	_ =	shalt  }
0x77: {  	_ =	shalt  }
0x78: {  	_ =	shalt  }
0x79: {  	_ =	shalt  }
0x7a: {  	_ =	shalt  }
0x7b: {  	_ =	shalt  }
0x7c: {  	_ =	shalt  }
0x7d: {  	_ =	shalt  }
0x7e: {  	_ =	shalt  }
0x7f: {  	_ =	shalt  }
0x80: {  	_ =	shalt  }
0x81: {  	_ =	shalt  }
0x82: {  	_ =	shalt  }
0x83: {  	_ =	shalt  }
0x84: {  	_ =	shalt  }
0x85: {  	_ =	shalt  }
0x86: {  	_ =	shalt  }
0x87: {  	_ =	shalt  }
.Lfunc_end0:
.L_simem_size_0:
called_computation_lowered:
.L_overlay_start_0:
0x88: {  	s2 =	sld [smem:$0x3FD9]  }
0x89: {  	s3 =	sld [smem:$0x3FFE];
	_ =	sdelay $0x1  }
0x8a: {  	s1 =	srdreg.scid  }
0x8b: {  	s0 =	sand.u32 $0x1, s1  }
0x8c: {  	s17 =	sshll.u32 s0, $0xA;
	s2 =	sadd.s32 s3, s2  }
0x8d: {  	s2 =	sadd.s32 s2, s17  }
0x8e: {  	[smem:$0x3FC6] =	sst s2  }
0x8f: {  	_ = 	snop  }
0x90: {  	s2 =	sld [smem:$0x3FC8]  }
0x91: {  	s18 =	sld [smem:$0x3FD0];
	(tm) =	ssettm $0x1  }
0x92: {  	s4 =	sld [smem:$0x3FFB];
	_ =	sdelay $0x3  }
0x93: {  	_ =	strace s4  }
0x94: {  	s4 =	sld [smem:$0x3FFC];
	_ =	sdelay $0x3  }
0x95: {  	_ =	strace s4  }
0x96: {  	s4 =	sld [smem:$0x3FFD];
	_ =	sdelay $0x3  }
0x97: {  	_ =	strace s4  }
0x98: {  	_ =	strace $0x8FFFFFFF  }
0x99: {  	s19 =	sld [smem:$0x3FDB];
	_ =	sdelay $0x1  }
0x9a: {  	s5 =	simm.s32 $_scs_section_size  }
0x9b: {  	s6 =	simm.s32 $_size__tile_overlayer_lowered;
	s7 =	simm.s32 $_tile_overlayer_lowered  }
0x9c: {  	s22 =	simm.s32 $0x1BFF;
	s21 =	sshll.u32 s7, $0x1;
	s4 =	sadd.s32 s5, s19  }
0x9d: {  	s8 =	simm.s32 $0x0;
	s20 =	sshll.u32 s6, $0x1;
	s6 =	sadd.s32 s21, s4  }
0x9e: {  	[timem:s8], [sflag:s22] =	dma.local [hbm:s6], s20  }
0x9f: {  	_ =	swait.ge [sflag:s22], s20  }
0xa0: {  	s5 =	ssub.s32 $0x0, s20;
	[sflag:s22] =	ssyncset.done $0x0  }
0xa1: {  	[sflag:s22] =	ssyncadd.s32 s5;
	_ =	sdelay $0x1  }
0xa2: {  	s23 =	simm.s32 $0x1B8B  }
0xa3: {  	_ =	swait.ge [sflag:s23], $0x1  }
0xa4: {  	[sflag:s23] =	ssyncset.done $0x0  }
0xa5: {  	s25 =	simm.s32 $0x1B8E;
	s24 =	sld [smem:$0x3FFE];
	[sflag:s23] =	ssyncadd.s32 $0xFFFFFFFF  }
0xa6: {  	s26 =	simm.s32 $execute0_lowered;
	[smem:$0x3FD2] =	sst s25  }
0xa7: {  	s6 =	sshll.u32 s26, $0x1;
	_ =	strace $0x80000046;
	[dreg:$0x1] =	wrdreg $0xFFFFFFFF  }
0xa8: {  	s28 =	simm.s32 $_size_execute0_lowered;
	s4 =	sadd.s32 s4, s6;
	[dreg:$0x0] =	wrdreg $0x0  }
0xa9: {  	s6 =	sshll.u32 s28, $0x1;
	[dreg:$0x2] =	wrdreg s4  }
0xaa: {  	[dreg:$0x3] =	wrdreg s6  }
0xab: {  	[dreg:$0x4] =	wrdreg $0xC0  }
0xac: {  	_ =	task [dreg:s8], $0x5FFFF  }
0xad: {  	[dreg:$0x1] =	wrdreg $0xFFFFFFFF  }
0xae: {  	[dreg:$0x0] =	wrdreg $0x60  }
0xaf: {  	[dreg:$0x2] =	wrdreg s2  }
0xb0: {  	[dreg:$0x3] =	wrdreg s24  }
0xb1: {  	[dreg:$0x4] =	wrdreg s18  }
0xb2: {  	[dreg:$0x5] =	wrdreg $0x9  }
0xb3: {  	_ =	task.clear_ibuf [dreg:s8], $0x6FFFF;
	_ =	strace $0x90000046  }
0xb4: {  	s29 =	simm.s32 $0x9;
	_ =	strace $0x80000048  }
0xb5: {  	_ =	swait.ge [sflag:s29], $0x1  }
0xb6: {  	[sflag:s29] =	ssyncadd.s32 $0xFFFFFFFF  }
0xb7: {  	_ =	strace $0x90000048  }
0xb8: {  	_ =	sfence  }
0xb9: {  	s30 =	sld [smem:$0x0];
	_ =	sdelay $0x2  }
0xba: {  	s31 =	sshll.u32 s1, $0xD;
	s1 =	sshrl.u32 s1, $0x2  }
0xbb: {  	s3 =	sand.u32 $0x4000, s31;
	s1 =	sadd.s32 s1, s30  }
0xbc: {  	s0 =	sor.u32 s3, s0;
	s1 =	sshll.u32 s1, $0x11  }
0xbd: {  	s0 =	sor.u32 s1, s0  }
0xbe: {  	s0 =	sadd.s32 $0x8F2B, s0  }
0xbf: {  	[sflag:s0] =	ssyncadd.remote.s32 $0x1  }
0xc0: {  	_ =	sfence.sel $0xFFFF  }
0xc1: {  	[dreg:$0x0] =	wrdreg $0xFFFFFFFF;
	(pc) =	sbr.abs _section_cstart, $3  }
0xc2: {  	[dreg:$0x1] =	wrdreg $0xFFFFFFFF  }
0xc3: {  	_ =	task.clear_ibuf [dreg:s8], $0x2FFFF;
	_ =	strace $0x9FFFFFFF  }
0xc4: {  	(tm) =	ssettm $0x7FFFFFFF  }
0xc5: {  	_ =	shalt  }
tec
execute0_lowered:
.L_overlay_start_1:
0x0: {  	(tag) =	ssettag $0x1  }
0x1: {  	s1 =	rddreg [dreg:$0x0]  }
0x2: {  	s0 =	rddreg [dreg:$0x1];
	s2 =	srdreg.scid  }
0x3: {  	s11 =	stileid.u32;
	s7 =	rddreg [dreg:$0x2];
	s3 =	simm.s32 $0x0  }
0x4: {  	s12 =	simm.s32 $0x80;
	s13 =	simm.s32 $0x6400;
	s14 =	simm.s32 $0xA400  }
0x5: {  	s16 =	simm.s32 $0xE400;
	s17 =	simm.s32 $0x1;
	s19 =	simm.s32 $0x12400  }
0x6: {  	s20 =	simm.s32 $0x2;
	s22 =	simm.s32 $0x16400;
	s23 =	simm.s32 $0x3  }
0x7: {  	s28 =	simm.s32 $0x5;
	s29 =	simm.s32 $0x8;
	s30 =	simm.s32 $0x9  }
0x8: {  	s2 =	sand.u32 $0x1, s2;
	s4 =	sshll.u32 s11, $0x1;
	s25 =	smul.u32 $0xC8000, s11  }
0x9: {  	s4 =	sor.u32 s2, s4;
	s6 =	ssub.s32 $0x2, s2;
	s2 =	smul.u32 $0x64000, s2  }
0xa: {  	s31 =	simm.s32 $0xA;
	[smem:$0x7FF] =	sst s3;
	s5 =	smul.u32 $0x6400, s4  }
0xb: {  	s11 =	simm.s32 $0xB;
	s24 =	sshrl.u32 s6, $0x1;
	s9 =	smul.u32 $0x320000, s4  }
0xc: {  	_ =	strace $0x80000047;
	s8 =	smul.u32 $0x64000, s4;
	s10 =	ssub.s32 s6, s24  }
0xd: {  	s24 =	simm.s32 $0x6;
	s5 =	sshrl.u32 s5, $0x3;
	s26 =	sshrl.u32 s9, $0x3  }
0xe: {  	s10 =	smax.u32 s10, $0x1;
	s0 =	sadd.s32 s5, s0;
	s5 =	sadd.s32 s7, s8  }
0xf: {  	s9 =	sadd.s32 s7, s26;
	s26 =	simm.s32 $0x7;
	s4 =	sadd.s32 $0x400, s0  }
0x10: {  	s6 =	sadd.s32 $0x800, s5;
	s0 =	sadd.s32 s25, s7;
	s7 =	sadd.s32 $0x1000, s5  }
0x11: {  	s8 =	sadd.s32 $0x63000, s9;
	s9 =	sadd.s32 $0x63800, s9;
	s0 =	sadd.s32 s2, s0  }
0x12: {  	s25 =	simm.s32 $0x4;
	s2 =	simm.s32 $0x0;
	[dreg:$0x4] =	wrdreg s0  }
.LBB2_1:
0x13: {  	[tilespmem:s3], [sflag:$0xB] =	stream.linear.gather [hbm4b:s4+s3], $0x6400, $0x38;
	[tilespmem:$0x1A400] =	vst v63  }
0x14: {  	_ =	swait.ge [sflag:s11], $0x6400  }
0x15: {  	[sflag:s11] =	ssyncset.done $0x0  }
0x16: {  	[sflag:s11] =	ssyncadd.s32 $0xFFFF9C00  }
0x17: {  	[tilespmem:s13], [sflag:$0x1] =	stream.indirect.gather [hbm4b:s1+s12], $0x80, s3, s12, $0xb8;
	[tilespmem:$0x1A400] =	vst v63  }
0x18: {  	_ = 	snop  }
0x19: {  	[tilespmem:s14], [sflag:$0x2] =	stream.indirect.gather [hbm4b:s1+s12], $0x80, s12, s12, $0xb8;
	[tilespmem:$0x1A400] =	vst v63  }
0x1a: {  	s0 =	simm.s32 $0x100  }
0x1b: {  	[tilespmem:s16], [sflag:$0x3] =	stream.indirect.gather [hbm4b:s1+s12], $0x80, s0, s12, $0xb8;
	[tilespmem:$0x1A400] =	vst v63  }
0x1c: {  	_ =	swait.ge [sflag:s17], $0x4000  }
0x1d: {  	[sflag:s17] =	ssyncset.done $0x0  }
0x1e: {  	[sflag:s17] =	ssyncadd.s32 $0xFFFFC000  }
0x1f: {  	[hbm4b:s5+s3] =	stream.linear.scatter [tilespmem:s13], [sflag:$0x6], $0x4000, $0x38;
	[tilespmem:$0x1A400] =	vst v63  }
0x20: {  	s18 =	simm.s32 $0x180  }
0x21: {  	[tilespmem:s19], [sflag:$0x4] =	stream.indirect.gather [hbm4b:s1+s12], $0x80, s18, s12, $0xb8;
	[tilespmem:$0x1A400] =	vst v63  }
0x22: {  	_ =	swait.ge [sflag:s20], $0x4000  }
0x23: {  	[sflag:s20] =	ssyncset.done $0x0  }
0x24: {  	[sflag:s20] =	ssyncadd.s32 $0xFFFFC000  }
0x25: {  	[hbm4b:s6+s3] =	stream.linear.scatter [tilespmem:s14], [sflag:$0x7], $0x4000, $0x38;
	[tilespmem:$0x1A400] =	vst v63  }
0x26: {  	s21 =	simm.s32 $0x200  }
0x27: {  	[tilespmem:s22], [sflag:$0x5] =	stream.indirect.gather [hbm4b:s1+s12], $0x80, s21, s12, $0xb8;
	[tilespmem:$0x1A400] =	vst v63  }
0x28: {  	_ =	swait.ge [sflag:s23], $0x4000  }
0x29: {  	[sflag:s23] =	ssyncset.done $0x0  }
0x2a: {  	[sflag:s23] =	ssyncadd.s32 $0xFFFFC000  }
0x2b: {  	[hbm4b:s7+s3] =	stream.linear.scatter [tilespmem:s16], [sflag:$0x8], $0x4000, $0x38;
	[tilespmem:$0x1A400] =	vst v63  }
0x2c: {  	_ =	swait.ge [sflag:s24], $0x4000  }
0x2d: {  	[sflag:s24] =	ssyncset.done $0x0  }
0x2e: {  	s15 =	simm.s32 $0x280;
	[sflag:s24] =	ssyncadd.s32 $0xFFFFC000  }
0x2f: {  	[tilespmem:s13], [sflag:$0x1] =	stream.indirect.gather [hbm4b:s1+s12], $0x80, s15, s12, $0xb8;
	[tilespmem:$0x1A400] =	vst v63  }
0x30: {  	_ =	swait.ge [sflag:s25], $0x4000  }
0x31: {  	s18 =	rddreg [dreg:$0x4]  }
0x32: {  	[sflag:s25] =	ssyncset.done $0x0;
	s15 =	sadd.s32 $0x0, s18  }
0x33: {  	[sflag:s25] =	ssyncadd.s32 $0xFFFFC000;
	s0 =	sadd.s32 $0x1800, s15  }
0x34: {  	[hbm4b:s0+s3] =	stream.linear.scatter [tilespmem:s19], [sflag:$0x9], $0x4000, $0x38;
	[tilespmem:$0x1A400] =	vst v63  }
0x35: {  	_ =	swait.ge [sflag:s26], $0x4000  }
0x36: {  	[sflag:s26] =	ssyncset.done $0x0  }
0x37: {  	s21 =	simm.s32 $0x300;
	[sflag:s26] =	ssyncadd.s32 $0xFFFFC000  }
0x38: {  	[tilespmem:s14], [sflag:$0x2] =	stream.indirect.gather [hbm4b:s1+s12], $0x80, s21, s12, $0xb8;
	[tilespmem:$0x1A400] =	vst v63  }
0x39: {  	_ =	swait.ge [sflag:s28], $0x4000  }
0x3a: {  	[sflag:s28] =	ssyncset.done $0x0  }
0x3b: {  	s18 =	sadd.s32 $0x2000, s15;
	[sflag:s28] =	ssyncadd.s32 $0xFFFFC000  }
0x3c: {  	[hbm4b:s18+s3] =	stream.linear.scatter [tilespmem:s22], [sflag:$0xA], $0x4000, $0x38;
	[tilespmem:$0x1A400] =	vst v63  }
0x3d: {  	_ =	swait.ge [sflag:s29], $0x4000  }
0x3e: {  	[sflag:s29] =	ssyncset.done $0x0  }
0x3f: {  	s21 =	simm.s32 $0x380;
	[sflag:s29] =	ssyncadd.s32 $0xFFFFC000  }
0x40: {  	[tilespmem:s16], [sflag:$0x3] =	stream.indirect.gather [hbm4b:s1+s12], $0x80, s21, s12, $0xb8;
	[tilespmem:$0x1A400] =	vst v63  }
0x41: {  	_ =	swait.ge [sflag:s17], $0x4000  }
0x42: {  	[sflag:s17] =	ssyncset.done $0x0  }
0x43: {  	s18 =	sadd.s32 $0x2800, s15;
	[sflag:s17] =	ssyncadd.s32 $0xFFFFC000  }
0x44: {  	[hbm4b:s18+s3] =	stream.linear.scatter [tilespmem:s13], [sflag:$0x6], $0x4000, $0x38;
	[tilespmem:$0x1A400] =	vst v63  }
0x45: {  	_ =	swait.ge [sflag:s30], $0x4000  }
0x46: {  	[sflag:s30] =	ssyncset.done $0x0  }
0x47: {  	s21 =	simm.s32 $0x400;
	[sflag:s30] =	ssyncadd.s32 $0xFFFFC000  }
0x48: {  	[tilespmem:s19], [sflag:$0x4] =	stream.indirect.gather [hbm4b:s1+s12], $0x80, s21, s12, $0xb8;
	[tilespmem:$0x1A400] =	vst v63  }
0x49: {  	_ =	swait.ge [sflag:s20], $0x4000  }
0x4a: {  	[sflag:s20] =	ssyncset.done $0x0  }
0x4b: {  	s18 =	sadd.s32 $0x3000, s15;
	[sflag:s20] =	ssyncadd.s32 $0xFFFFC000  }
0x4c: {  	[hbm4b:s18+s3] =	stream.linear.scatter [tilespmem:s14], [sflag:$0x7], $0x4000, $0x38;
	[tilespmem:$0x1A400] =	vst v63  }
0x4d: {  	_ =	swait.ge [sflag:s31], $0x4000  }
0x4e: {  	[sflag:s31] =	ssyncset.done $0x0  }
0x4f: {  	s21 =	simm.s32 $0x480;
	[sflag:s31] =	ssyncadd.s32 $0xFFFFC000  }
0x50: {  	[tilespmem:s22], [sflag:$0x5] =	stream.indirect.gather [hbm4b:s1+s12], $0x80, s21, s12, $0xb8;
	[tilespmem:$0x1A400] =	vst v63  }
0x51: {  	_ =	swait.ge [sflag:s23], $0x4000  }
0x52: {  	s0 =	simm.s32 $0x2800;
	[sflag:s23] =	ssyncset.done $0x0  }
0x53: {  	s18 =	sadd.s32 $0x3800, s15;
	s15 =	simm.s32 $0x700;
	[sflag:s23] =	ssyncadd.s32 $0xFFFFC000  }
.LBB2_2:
0x54: {  	[hbm4b:s18+s3] =	stream.linear.scatter [tilespmem:s16], [sflag:$0x8], $0x4000, $0x38;
	[tilespmem:$0x1A400] =	vst v63  }
0x55: {  	_ =	swait.ge [sflag:s24], $0x4000  }
0x56: {  	[sflag:s24] =	ssyncset.done $0x0  }
0x57: {  	s21 =	sadd.s32 $0xFFFFFE00, s15;
	[sflag:s24] =	ssyncadd.s32 $0xFFFFC000  }
0x58: {  	[tilespmem:s13], [sflag:$0x1] =	stream.indirect.gather [hbm4b:s1+s12], $0x80, s21, s12, $0xb8;
	[tilespmem:$0x1A400] =	vst v63  }
0x59: {  	_ =	swait.ge [sflag:s25], $0x4000  }
0x5a: {  	s18 =	smov.u32 s0;
	s21 =	rddreg [dreg:$0x4]  }
0x5b: {  	[sflag:s25] =	ssyncset.done $0x0;
	s18 =	sadd.s32 s18, s21  }
0x5c: {  	[sflag:s25] =	ssyncadd.s32 $0xFFFFC000;
	s21 =	sadd.s32 $0x1800, s18  }
0x5d: {  	[hbm4b:s21+s3] =	stream.linear.scatter [tilespmem:s19], [sflag:$0x9], $0x4000, $0x38;
	[tilespmem:$0x1A400] =	vst v63  }
0x5e: {  	_ =	swait.ge [sflag:s26], $0x4000  }
0x5f: {  	[sflag:s26] =	ssyncset.done $0x0  }
0x60: {  	s21 =	sadd.s32 $0xFFFFFE80, s15;
	[sflag:s26] =	ssyncadd.s32 $0xFFFFC000  }
0x61: {  	[tilespmem:s14], [sflag:$0x2] =	stream.indirect.gather [hbm4b:s1+s12], $0x80, s21, s12, $0xb8;
	[tilespmem:$0x1A400] =	vst v63  }
0x62: {  	_ =	swait.ge [sflag:s28], $0x4000  }
0x63: {  	[sflag:s28] =	ssyncset.done $0x0  }
0x64: {  	s21 =	sadd.s32 $0x2000, s18;
	[sflag:s28] =	ssyncadd.s32 $0xFFFFC000  }
0x65: {  	[hbm4b:s21+s3] =	stream.linear.scatter [tilespmem:s22], [sflag:$0xA], $0x4000, $0x38;
	[tilespmem:$0x1A400] =	vst v63  }
0x66: {  	_ =	swait.ge [sflag:s29], $0x4000  }
0x67: {  	[sflag:s29] =	ssyncset.done $0x0  }
0x68: {  	s21 =	sadd.s32 $0xFFFFFF00, s15;
	[sflag:s29] =	ssyncadd.s32 $0xFFFFC000  }
0x69: {  	[tilespmem:s16], [sflag:$0x3] =	stream.indirect.gather [hbm4b:s1+s12], $0x80, s21, s12, $0xb8;
	[tilespmem:$0x1A400] =	vst v63  }
0x6a: {  	_ =	swait.ge [sflag:s17], $0x4000  }
0x6b: {  	[sflag:s17] =	ssyncset.done $0x0  }
0x6c: {  	s21 =	sadd.s32 $0x2800, s18;
	[sflag:s17] =	ssyncadd.s32 $0xFFFFC000  }
0x6d: {  	[hbm4b:s21+s3] =	stream.linear.scatter [tilespmem:s13], [sflag:$0x6], $0x4000, $0x38;
	[tilespmem:$0x1A400] =	vst v63  }
0x6e: {  	_ =	swait.ge [sflag:s30], $0x4000  }
0x6f: {  	[sflag:s30] =	ssyncset.done $0x0  }
0x70: {  	s21 =	sadd.s32 $0xFFFFFF80, s15;
	[sflag:s30] =	ssyncadd.s32 $0xFFFFC000  }
0x71: {  	[tilespmem:s19], [sflag:$0x4] =	stream.indirect.gather [hbm4b:s1+s12], $0x80, s21, s12, $0xb8;
	[tilespmem:$0x1A400] =	vst v63  }
0x72: {  	_ =	swait.ge [sflag:s20], $0x4000  }
0x73: {  	[sflag:s20] =	ssyncset.done $0x0  }
0x74: {  	s21 =	sadd.s32 $0x3000, s18;
	[sflag:s20] =	ssyncadd.s32 $0xFFFFC000  }
0x75: {  	[hbm4b:s21+s3] =	stream.linear.scatter [tilespmem:s14], [sflag:$0x7], $0x4000, $0x38;
	[tilespmem:$0x1A400] =	vst v63  }
0x76: {  	_ =	swait.ge [sflag:s31], $0x4000  }
0x77: {  	p0 =	sne.s32 s0, $0x5F000;
	[sflag:s31] =	ssyncset.done $0x0  }
.Ltmp0:
0x78: {  	[sflag:s31] =	ssyncadd.s32 $0xFFFFC000;
	(pc) =	sbr.rel @p0 .LBB2_2-.Ltmp0, $4  }
0x79: {  	[tilespmem:s22], [sflag:$0x5] =	stream.indirect.gather [hbm4b:s1+s12], $0x80, s15, s12, $0xb8;
	[tilespmem:$0x1A400] =	vst v63  }
0x7a: {  	_ =	swait.ge [sflag:s23], $0x4000  }
0x7b: {  	s0 =	sadd.s32 $0x2800, s0;
	[sflag:s23] =	ssyncset.done $0x0  }
0x7c: {  	s18 =	sadd.s32 $0x3800, s18;
	s15 =	sadd.s32 $0x280, s15;
	[sflag:s23] =	ssyncadd.s32 $0xFFFFC000  }
0x7d: {  	[hbm4b:s18+s3] =	stream.linear.scatter [tilespmem:s16], [sflag:$0x8], $0x4000, $0x38;
	[tilespmem:$0x1A400] =	vst v63  }
0x7e: {  	_ =	swait.ge [sflag:s25], $0x4000  }
0x7f: {  	[sflag:s25] =	ssyncset.done $0x0  }
0x80: {  	[sflag:s25] =	ssyncadd.s32 $0xFFFFC000  }
0x81: {  	[hbm4b:s8+s3] =	stream.linear.scatter [tilespmem:s19], [sflag:$0x9], $0x4000, $0x38;
	[tilespmem:$0x1A400] =	vst v63  }
0x82: {  	_ =	swait.ge [sflag:s28], $0x4000  }
0x83: {  	[sflag:s28] =	ssyncset.done $0x0  }
0x84: {  	[sflag:s28] =	ssyncadd.s32 $0xFFFFC000  }
0x85: {  	[hbm4b:s9+s3] =	stream.linear.scatter [tilespmem:s22], [sflag:$0xA], $0x4000, $0x38;
	[tilespmem:$0x1A400] =	vst v63  }
0x86: {  	_ =	swait.ge [sflag:s24], $0x4000  }
0x87: {  	[sflag:s24] =	ssyncset.done $0x0  }
0x88: {  	[sflag:s24] =	ssyncadd.s32 $0xFFFFC000  }
0x89: {  	_ =	swait.ge [sflag:s26], $0x4000  }
0x8a: {  	[sflag:s26] =	ssyncset.done $0x0  }
0x8b: {  	[sflag:s26] =	ssyncadd.s32 $0xFFFFC000  }
0x8c: {  	_ =	swait.ge [sflag:s29], $0x4000  }
0x8d: {  	[sflag:s29] =	ssyncset.done $0x0  }
0x8e: {  	s2 =	sadd.s32 $0x1, s2;
	[sflag:s29] =	ssyncadd.s32 $0xFFFFC000  }
0x8f: {  	p0 =	sne.s32 s2, s10;
	_ =	swait.ge [sflag:s30], $0x4000  }
.Ltmp1:
0x90: {  	[sflag:s30] =	ssyncset.done $0x0;
	(pc) =	sbr.rel @p0 .LBB2_1-.Ltmp1, $4  }
0x91: {  	[sflag:s30] =	ssyncadd.s32 $0xFFFFC000  }
0x92: {  	_ =	swait.ge [sflag:s31], $0x4000  }
0x93: {  	[sflag:s31] =	ssyncset.done $0x0  }
0x94: {  	[sflag:s31] =	ssyncadd.s32 $0xFFFFC000  }
0x95: {  	_ =	sfence.sel $0x180000  }
0x96: {  	[bflag:$0x0] =	sbarrier.arrive $0xFFFF  }
0x97: {  	_ =	strace $0x90000047  }
0x98: {  	s0 =	stileid.u32;
	[bflag:$0x2] =	sbarrier.arrive $0xFFFF  }
0x99: {  	p0 =	sne.s32 s0, $0x0;
	s0 =	rddreg [dreg:$0x3]  }
0x9a: {  	s0 =	sadd.s32 @!p0 $0x100000, s0  }
0x9b: {  	[sflag:s0] =	ssyncadd.tile.s32 @!p0 $0x1;
	_ =	shalt  }
.Lfunc_end2:
_tile_overlayer_lowered:
.L_overlay_start_2:
0x9c: {  	(tag) =	ssettag $0x2  }
0x9d: {  	s0 =	rddreg [dreg:$0x0];
	s2 =	stileid.u32  }
0x9e: {  	s1 =	rddreg [dreg:$0x1];
	p0 =	sne.s32 s2, $0x0  }
0x9f: {  	s3 =	rddreg [dreg:$0x2];
	[bflag:$0x3] =	sbarrier.arrive $0xFFFF;
	s2 =	simm.s32 @!p0 $0x1C0B  }
0xa0: {  	[timem:s3], [sflag:s2] =	dma.local @!p0 [hbm:s0], s1  }
0xa1: {  	s0 =	simm.s32 @!p0 $0xB  }
0xa2: {  	_ =	swait.ge @!p0 [sflag:s0], s1  }
0xa3: {  	s1 =	ssub.s32 @!p0 $0x0, s1;
	[sflag:s0] =	ssyncset.done @!p0 $0x0  }
0xa4: {  	[sflag:s0] =	ssyncadd.s32 @!p0 s1  }
0xa5: {  	[bflag:$0x3] =	sbarrier.arrive $0xFFFF  }
0xa6: {  	_ =	shalt  }

</sc_bundles>
